<compile_context>
chip_gen: v7x
topology: tpu7x:2x2x1
jax: 0.10.2.dev20260603
libtpu: 0.0.44.dev20260713+nightly
codegen_flags: <defaults>
</compile_context>

<pallas_src>
import functools

import jax
import jax.numpy as jnp
from jax import lax
from jax.experimental import pallas as pl
from jax.experimental.pallas import tpu as pltpu
from jax.experimental.pallas import tpu_sc as plsc

B = 16384
V = 1000000
D = 64
D2 = 128

_CBLK = 16384
_QBLK = _CBLK // 4
_CLOG = _CBLK.bit_length() - 1
_QLOG = _QBLK.bit_length() - 1
_NSTEP = (V + _CBLK - 1) // _CBLK
_VROWS = _NSTEP * _QBLK

_NC = 2
_NS = 16
_NW = _NC * _NS
_BPW = B // _NW
_CHUNK = 256
_NCHUNK = _BPW // _CHUNK
_NBUF = 3
_NSTAGE = 4 * _NCHUNK


def _pack_one(x_ref, eye_ref):
    t = lax.dot_general(x_ref[...].astype(jnp.bfloat16), eye_ref[...],
                        (((0,), (0,)), ((), ())),
                        preferred_element_type=jnp.float32)
    u = lax.bitcast_convert_type(t, jnp.int32)
    q = [u[i * _QBLK:(i + 1) * _QBLK] for i in range(4)]
    mhi = jnp.int32(-65536)
    w01 = lax.shift_right_logical(q[0], 16) | (q[1] & mhi)
    w23 = lax.shift_right_logical(q[2], 16) | (q[3] & mhi)
    return jnp.concatenate([w01, w23], axis=1)


def _tc_pack_body(ug, ig, um, im, eye, o_ug, o_ig, o_um, o_im):
    o_ug[...] = _pack_one(ug, eye)
    o_ig[...] = _pack_one(ig, eye)
    o_um[...] = _pack_one(um, eye)
    o_im[...] = _pack_one(im, eye)


def _tc_pack(t_ug, t_ig, t_um, t_im):
    eye = jnp.eye(D, dtype=jnp.bfloat16)
    in_spec = pl.BlockSpec((D, _CBLK), lambda j: (0, j))
    out_spec = pl.BlockSpec((_QBLK, D2), lambda j: (j, 0))
    return pl.pallas_call(
        _tc_pack_body,
        grid=(_NSTEP,),
        in_specs=[in_spec, in_spec, in_spec, in_spec,
                  pl.BlockSpec((D, D), lambda j: (0, 0))],
        out_specs=[out_spec] * 4,
        out_shape=[jax.ShapeDtypeStruct((_VROWS, D2), jnp.int32)] * 4,
        compiler_params=pltpu.CompilerParams(
            fuse_transposed_lhs_in_matmul=True,
            vmem_limit_bytes=100 * 1024 * 1024,
        ),
    )(t_ug, t_ig, t_um, t_im, eye)


def _sc_gather_body(idxu_hbm, idxi_hbm, ug_hbm, ig_hbm, um_hbm, im_hbm,
                    o_ug, o_ig, o_um, o_im,
                    idx_u, idx_i, bufs, gsems, wsems):
    wid = lax.axis_index("s") * _NC + lax.axis_index("c")
    base = wid * _BPW
    pltpu.sync_copy(idxu_hbm.at[pl.ds(base, _BPW)], idx_u)
    pltpu.sync_copy(idxi_hbm.at[pl.ds(base, _BPW)], idx_i)

    srcs = ((ug_hbm, idx_u), (ig_hbm, idx_i), (um_hbm, idx_u), (im_hbm, idx_i))
    outs = (o_ug, o_ig, o_um, o_im)

    def gather(s):
        tbl, idx = srcs[s // _NCHUNK]
        c = s % _NCHUNK
        k = s % _NBUF
        return pltpu.async_copy(tbl.at[idx.at[pl.ds(c * _CHUNK, _CHUNK)]],
                                bufs.at[k], gsems.at[k])

    def writeback(s):
        out = outs[s // _NCHUNK]
        c = s % _NCHUNK
        k = s % _NBUF
        row0 = base + c * _CHUNK
        return pltpu.async_copy(bufs.at[k], out.at[pl.ds(row0, _CHUNK)],
                                wsems.at[k])

    caps_g = {}
    caps_w = {}
    for s in range(min(_NBUF, _NSTAGE)):
        caps_g[s] = gather(s)
    for s in range(_NSTAGE):
        caps_g[s].wait()
        caps_w[s] = writeback(s)
        nxt = s + _NBUF
        if nxt < _NSTAGE:
            caps_w[s].wait()
            caps_g[nxt] = gather(nxt)
    for s in range(max(0, _NSTAGE - _NBUF), _NSTAGE):
        if s in caps_w:
            caps_w[s].wait()


_sc_gather = functools.partial(
    pl.kernel,
    out_type=[jax.ShapeDtypeStruct((B, D2), jnp.int32)] * 4,
    mesh=plsc.VectorSubcoreMesh(core_axis_name="c", subcore_axis_name="s"),
    compiler_params=pltpu.CompilerParams(use_tc_tiling_on_sc=True),
    scratch_types=[
        pltpu.VMEM((_BPW,), jnp.int32),
        pltpu.VMEM((_BPW,), jnp.int32),
        pltpu.VMEM((_NBUF, _CHUNK, D2), jnp.int32),
        pltpu.SemaphoreType.DMA((_NBUF,)),
        pltpu.SemaphoreType.DMA((_NBUF,)),
    ],
)(_sc_gather_body)


_BLK = 2048


def _unpack(x, vid):
    colhi = (vid & (2 * _QBLK)) == (2 * _QBLK)
    xx = jnp.where(colhi, x[:, D:], x[:, :D])
    hi16 = (vid & _QBLK) == _QBLK
    half = jnp.where(hi16, lax.shift_right_logical(xx, 16), xx)
    return lax.bitcast_convert_type((half & 0xFFFF) << 16, jnp.float32)


def _tc_dense_body(uid, iid, ug2, ig2, um2, im2,
                   w1a, w1b, b1, w2, b2, w3, b3, wog, woh, bo, out):
    f32 = jnp.float32
    uv = uid[...]
    iv = iid[...]
    ug = _unpack(ug2[...], uv)
    ig = _unpack(ig2[...], iv)
    um = _unpack(um2[...], uv)
    im = _unpack(im2[...], iv)
    gmf = ug * ig
    h = jnp.dot(um, w1a[...], preferred_element_type=f32)
    h += jnp.dot(im, w1b[...], preferred_element_type=f32)
    h = jnp.maximum(h + b1[...], 0.0)
    h = jnp.maximum(jnp.dot(h, w2[...], preferred_element_type=f32) + b2[...], 0.0)
    h = jnp.maximum(jnp.dot(h, w3[...], preferred_element_type=f32) + b3[...], 0.0)
    logit = jnp.sum(gmf * wog[...], axis=1) + jnp.sum(h * woh[...], axis=1)
    out[...] = jax.nn.sigmoid(logit + bo[0, 0])


def _tc_dense(uid, iid, ug2, ig2, um2, im2,
              w1a, w1b, b1, w2, b2, w3, b3, wog, woh, bo):
    n_blk = B // _BLK
    id_spec = pl.BlockSpec((_BLK, 1), lambda i: (i, 0))
    row_spec = pl.BlockSpec((_BLK, D2), lambda i: (i, 0))
    full = lambda a: pl.BlockSpec(a.shape, lambda i: (0,) * a.ndim)
    return pl.pallas_call(
        _tc_dense_body,
        grid=(n_blk,),
        in_specs=[id_spec, id_spec, row_spec, row_spec, row_spec, row_spec,
                  full(w1a), full(w1b), full(b1), full(w2), full(b2),
                  full(w3), full(b3), full(wog), full(woh), full(bo)],
        out_specs=pl.BlockSpec((_BLK,), lambda i: (i,)),
        out_shape=jax.ShapeDtypeStruct((B,), jnp.float32),
    )(uid, iid, ug2, ig2, um2, im2,
      w1a, w1b, b1, w2, b2, w3, b3, wog, woh, bo)


def kernel(user_ids, item_ids, ue_gmf, ie_gmf, ue_mlp, ie_mlp,
           W1, b1, W2, b2, W3, b3, Wo, bo):
    p_ug, p_ig, p_um, p_im = _tc_pack(ue_gmf.T, ie_gmf.T, ue_mlp.T, ie_mlp.T)
    iu_row = ((lax.shift_right_logical(user_ids, _CLOG) << _QLOG)
              | (user_ids & (_QBLK - 1)))
    ii_row = ((lax.shift_right_logical(item_ids, _CLOG) << _QLOG)
              | (item_ids & (_QBLK - 1)))
    ug2, ig2, um2, im2 = _sc_gather(iu_row, ii_row, p_ug, p_ig, p_um, p_im)
    w1a, w1b = W1[:D], W1[D:]
    wog = Wo[:D, 0].reshape(1, D)
    woh = Wo[D:, 0].reshape(1, Wo.shape[0] - D)
    return _tc_dense(user_ids.reshape(B, 1), item_ids.reshape(B, 1),
                     ug2, ig2, um2, im2,
                     w1a, w1b, b1.reshape(1, -1), W2, b2.reshape(1, -1),
                     W3, b3.reshape(1, -1), wog, woh, bo.reshape(1, 1))

# --- scband reference (transcript-rebuilt; emitter-appended) ---
"""Pipeline reference for scband-neural-cf-4879082848890 (READ-ONLY COPY).

The authoritative reference and input builder live on the scoring server;
editing this copy changes nothing except your own understanding.
"""

import jax, jax.numpy as jnp
import numpy as np

B = 16384
V = 1000000
D = 64
HIDDEN = [128, 64, 32]

def setup_inputs(seed: int = 0) -> dict:
    key = jax.random.key(seed)
    ks = jax.random.split(key, 16)
    user_ids = jax.random.randint(ks[0], (B,), 0, V)
    item_ids = jax.random.randint(ks[1], (B,), 0, V)
    ue_gmf = jax.random.normal(ks[2], (V, D), dtype=jnp.float32) * 0.01
    ie_gmf = jax.random.normal(ks[3], (V, D), dtype=jnp.float32) * 0.01
    ue_mlp = jax.random.normal(ks[4], (V, D), dtype=jnp.float32) * 0.01
    ie_mlp = jax.random.normal(ks[5], (V, D), dtype=jnp.float32) * 0.01
    W1 = jax.random.normal(ks[6], (2 * D, HIDDEN[0]), dtype=jnp.float32) * (1.0 / np.sqrt(2 * D))
    b1 = jnp.zeros((HIDDEN[0],), dtype=jnp.float32)
    W2 = jax.random.normal(ks[7], (HIDDEN[0], HIDDEN[1]), dtype=jnp.float32) * (1.0 / np.sqrt(HIDDEN[0]))
    b2 = jnp.zeros((HIDDEN[1],), dtype=jnp.float32)
    W3 = jax.random.normal(ks[8], (HIDDEN[1], HIDDEN[2]), dtype=jnp.float32) * (1.0 / np.sqrt(HIDDEN[1]))
    b3 = jnp.zeros((HIDDEN[2],), dtype=jnp.float32)
    Wo = jax.random.normal(ks[9], (HIDDEN[2] + D, 1), dtype=jnp.float32) * (1.0 / np.sqrt(HIDDEN[2] + D))
    bo = jnp.zeros((1,), dtype=jnp.float32)
    return {
        'user_ids': user_ids, 'item_ids': item_ids,
        'ue_gmf': ue_gmf, 'ie_gmf': ie_gmf, 'ue_mlp': ue_mlp, 'ie_mlp': ie_mlp,
        'W1': W1, 'b1': b1, 'W2': W2, 'b2': b2, 'W3': W3, 'b3': b3,
        'Wo': Wo, 'bo': bo,
    }

def reference(user_ids, item_ids, ue_gmf, ie_gmf, ue_mlp, ie_mlp, W1, b1, W2, b2, W3, b3, Wo, bo):
    # GMF branch: embedding lookups + elementwise product
    user_emb_gmf = jnp.take(ue_gmf, user_ids, axis=0)
    item_emb_gmf = jnp.take(ie_gmf, item_ids, axis=0)
    gmf_output = user_emb_gmf * item_emb_gmf
    # MLP branch: embedding lookups + concat + MLP (dropout is identity in eval)
    user_emb_mlp = jnp.take(ue_mlp, user_ids, axis=0)
    item_emb_mlp = jnp.take(ie_mlp, item_ids, axis=0)
    h = jnp.concatenate([user_emb_mlp, item_emb_mlp], axis=-1)
    h = jax.nn.relu(h @ W1 + b1)
    h = jax.nn.relu(h @ W2 + b2)
    h = jax.nn.relu(h @ W3 + b3)
    concat = jnp.concatenate([gmf_output, h], axis=-1)
    prediction = concat @ Wo + bo
    return jax.nn.sigmoid(jnp.squeeze(prediction, axis=-1))

if __name__ == "__main__":
    import jax
    _d = setup_inputs()
    print(jax.jit(kernel)(*tuple(_d.values())))

</pallas_src>

<mosaic_0001>
#map = affine_map<(d0, d1) -> (0)>
#map1 = affine_map<(d0, d1) -> (0, 0)>
module attributes {stable_mosaic.version = 14 : i64} {
  func.func @_sc_gather_body(%arg0: i32, %arg1: i32, %arg2: memref<16384xi32, #tpu.memory_space<hbm>>, %arg3: memref<16384xi32, #tpu.memory_space<hbm>>, %arg4: memref<253952x128xi32, #tpu.memory_space<hbm>>, %arg5: memref<253952x128xi32, #tpu.memory_space<hbm>>, %arg6: memref<253952x128xi32, #tpu.memory_space<hbm>>, %arg7: memref<253952x128xi32, #tpu.memory_space<hbm>>, %arg8: memref<16384x128xi32, #tpu.memory_space<hbm>>, %arg9: memref<16384x128xi32, #tpu.memory_space<hbm>>, %arg10: memref<16384x128xi32, #tpu.memory_space<hbm>>, %arg11: memref<16384x128xi32, #tpu.memory_space<hbm>>, %arg12: memref<512xi32, #tpu.memory_space<vmem>>, %arg13: memref<512xi32, #tpu.memory_space<vmem>>, %arg14: memref<3x256x128xi32, #tpu.memory_space<vmem>>, %arg15: memref<3x!tpu.dma_semaphore, #tpu.memory_space<semaphore_mem>>, %arg16: memref<3x!tpu.dma_semaphore, #tpu.memory_space<semaphore_mem>>) attributes {dimension_semantics = [#tpu.dimension_semantics<core_parallel>, #tpu.dimension_semantics<subcore_parallel>], iteration_bounds = array<i64: 2, 16>, scalar_prefetch = 0 : i64, scratch_operands = 5 : i64, tpu.core_type = #tpu.core_type<sc_vector_subcore>, window_params = [{transform_indices = #map}, {transform_indices = #map}, {transform_indices = #map1}, {transform_indices = #map1}, {transform_indices = #map1}, {transform_indices = #map1}, {transform_indices = #map1}, {transform_indices = #map1}, {transform_indices = #map1}, {transform_indices = #map1}]} {
    %mul3A = arith.constant 2 : i32
    %mul3A_0 = arith.muli %arg1, %mul3A : i32
    %add3A = arith.addi %mul3A_0, %arg0 : i32
    %mul3A_1 = arith.constant 512 : i32
    %mul3A_2 = arith.muli %add3A, %mul3A_1 : i32
    "tpu.region"() ({
      %run_scoped3A = tpu.sem_alloc : memref<!tpu.dma_semaphore, #tpu.memory_space<semaphore_mem>>
      %dma_start3A_481 = tpu.memref_slice %arg2[%mul3A_2] : memref<16384xi32, #tpu.memory_space<hbm>> -> memref<512xi32, #tpu.memory_space<hbm>>
      %dma_start3A_482 = tpu.memref_slice %arg2[%mul3A_2] : memref<16384xi32, #tpu.memory_space<hbm>> -> memref<512xi32, #tpu.memory_space<hbm>>
      tpu.enqueue_dma source(%dma_start3A_482 : memref<512xi32, #tpu.memory_space<hbm>>) target(%arg12 : memref<512xi32, #tpu.memory_space<vmem>>) target_semaphore(%run_scoped3A : memref<!tpu.dma_semaphore, #tpu.memory_space<semaphore_mem>>)
      %dma_wait3A_483 = tpu.memref_slice %arg2[%mul3A_2] : memref<16384xi32, #tpu.memory_space<hbm>> -> memref<512xi32, #tpu.memory_space<hbm>>
      %dma_wait3A_484 = tpu.memref_slice %arg2[%mul3A_2] : memref<16384xi32, #tpu.memory_space<hbm>> -> memref<512xi32, #tpu.memory_space<hbm>>
      tpu.wait_dma2 semaphore(%run_scoped3A : memref<!tpu.dma_semaphore, #tpu.memory_space<semaphore_mem>>) src(%dma_wait3A_484 : memref<512xi32, #tpu.memory_space<hbm>>) dst(%arg12 : memref<512xi32, #tpu.memory_space<vmem>>)
      tpu.yield
    }) : () -> ()
    "tpu.region"() ({
      %run_scoped3A = tpu.sem_alloc : memref<!tpu.dma_semaphore, #tpu.memory_space<semaphore_mem>>
      %dma_start3A_481 = tpu.memref_slice %arg3[%mul3A_2] : memref<16384xi32, #tpu.memory_space<hbm>> -> memref<512xi32, #tpu.memory_space<hbm>>
      %dma_start3A_482 = tpu.memref_slice %arg3[%mul3A_2] : memref<16384xi32, #tpu.memory_space<hbm>> -> memref<512xi32, #tpu.memory_space<hbm>>
      tpu.enqueue_dma source(%dma_start3A_482 : memref<512xi32, #tpu.memory_space<hbm>>) target(%arg13 : memref<512xi32, #tpu.memory_space<vmem>>) target_semaphore(%run_scoped3A : memref<!tpu.dma_semaphore, #tpu.memory_space<semaphore_mem>>)
      %dma_wait3A_483 = tpu.memref_slice %arg3[%mul3A_2] : memref<16384xi32, #tpu.memory_space<hbm>> -> memref<512xi32, #tpu.memory_space<hbm>>
      %dma_wait3A_484 = tpu.memref_slice %arg3[%mul3A_2] : memref<16384xi32, #tpu.memory_space<hbm>> -> memref<512xi32, #tpu.memory_space<hbm>>
      tpu.wait_dma2 semaphore(%run_scoped3A : memref<!tpu.dma_semaphore, #tpu.memory_space<semaphore_mem>>) src(%dma_wait3A_484 : memref<512xi32, #tpu.memory_space<hbm>>) dst(%arg13 : memref<512xi32, #tpu.memory_space<vmem>>)
      tpu.yield
    }) : () -> ()
    %dma_start3A = arith.constant 0 : i32
    %dma_start3A_3 = arith.constant 0 : i32
    %dma_start3A_4 = arith.constant 0 : i32
    %dma_start3A_5 = arith.constant 0 : i32
    %dma_start3A_6 = tpu.memref_slice %arg14[%dma_start3A, %dma_start3A_4, %dma_start3A_5] : memref<3x256x128xi32, #tpu.memory_space<vmem>> -> memref<1x256x128xi32, #tpu.memory_space<vmem>>
    %dma_start3A_7 = tpu.memref_squeeze %dma_start3A_6 : memref<1x256x128xi32, #tpu.memory_space<vmem>> -> memref<256x128xi32, #tpu.memory_space<vmem>>
    %dma_start3A_8 = arith.constant 0 : i32
    %dma_start3A_9 = tpu.memref_slice %arg12[%dma_start3A_8] : memref<512xi32, #tpu.memory_space<vmem>> -> memref<256xi32, #tpu.memory_space<vmem>>
    %dma_start3A_10 = arith.constant 0 : i32
    %dma_start3A_11 = arith.constant 0 : i32
    %dma_start3A_12 = tpu.memref_slice %arg4[%dma_start3A_10, %dma_start3A_11] : memref<253952x128xi32, #tpu.memory_space<hbm>> -> memref<253952x128xi32, #tpu.memory_space<hbm>>
    %dma_start3A_13 = tpu.memref_slice %arg15[%dma_start3A_3] : memref<3x!tpu.dma_semaphore, #tpu.memory_space<semaphore_mem>> -> memref<1x!tpu.dma_semaphore, #tpu.memory_space<semaphore_mem>>
    %dma_start3A_14 = tpu.memref_squeeze %dma_start3A_13 : memref<1x!tpu.dma_semaphore, #tpu.memory_space<semaphore_mem>> -> memref<!tpu.dma_semaphore, #tpu.memory_space<semaphore_mem>>
    tpu.enqueue_indirect_dma source(%dma_start3A_12 : memref<253952x128xi32, #tpu.memory_space<hbm>>) target(%dma_start3A_7 : memref<256x128xi32, #tpu.memory_space<vmem>>) offsets(%dma_start3A_9 : memref<256xi32, #tpu.memory_space<vmem>>) semaphore(%dma_start3A_14 : memref<!tpu.dma_semaphore, #tpu.memory_space<semaphore_mem>>)
    %dma_start3A_15 = arith.constant 1 : i32
    %dma_start3A_16 = arith.constant 1 : i32
    %dma_start3A_17 = arith.constant 0 : i32
    %dma_start3A_18 = arith.constant 0 : i32
    %dma_start3A_19 = tpu.memref_slice %arg14[%dma_start3A_15, %dma_start3A_17, %dma_start3A_18] : memref<3x256x128xi32, #tpu.memory_space<vmem>> -> memref<1x256x128xi32, #tpu.memory_space<vmem>>
    %dma_start3A_20 = tpu.memref_squeeze %dma_start3A_19 : memref<1x256x128xi32, #tpu.memory_space<vmem>> -> memref<256x128xi32, #tpu.memory_space<vmem>>
    %dma_start3A_21 = arith.constant 256 : i32
    %dma_start3A_22 = tpu.memref_slice %arg12[%dma_start3A_21] : memref<512xi32, #tpu.memory_space<vmem>> -> memref<256xi32, #tpu.memory_space<vmem>>
    %dma_start3A_23 = arith.constant 0 : i32
    %dma_start3A_24 = arith.constant 0 : i32
    %dma_start3A_25 = tpu.memref_slice %arg4[%dma_start3A_23, %dma_start3A_24] : memref<253952x128xi32, #tpu.memory_space<hbm>> -> memref<253952x128xi32, #tpu.memory_space<hbm>>
    %dma_start3A_26 = tpu.memref_slice %arg15[%dma_start3A_16] : memref<3x!tpu.dma_semaphore, #tpu.memory_space<semaphore_mem>> -> memref<1x!tpu.dma_semaphore, #tpu.memory_space<semaphore_mem>>
    %dma_start3A_27 = tpu.memref_squeeze %dma_start3A_26 : memref<1x!tpu.dma_semaphore, #tpu.memory_space<semaphore_mem>> -> memref<!tpu.dma_semaphore, #tpu.memory_space<semaphore_mem>>
    tpu.enqueue_indirect_dma source(%dma_start3A_25 : memref<253952x128xi32, #tpu.memory_space<hbm>>) target(%dma_start3A_20 : memref<256x128xi32, #tpu.memory_space<vmem>>) offsets(%dma_start3A_22 : memref<256xi32, #tpu.memory_space<vmem>>) semaphore(%dma_start3A_27 : memref<!tpu.dma_semaphore, #tpu.memory_space<semaphore_mem>>)
    %dma_start3A_28 = arith.constant 2 : i32
    %dma_start3A_29 = arith.constant 2 : i32
    %dma_start3A_30 = arith.constant 0 : i32
    %dma_start3A_31 = arith.constant 0 : i32
    %dma_start3A_32 = tpu.memref_slice %arg14[%dma_start3A_28, %dma_start3A_30, %dma_start3A_31] : memref<3x256x128xi32, #tpu.memory_space<vmem>> -> memref<1x256x128xi32, #tpu.memory_space<vmem>>
    %dma_start3A_33 = tpu.memref_squeeze %dma_start3A_32 : memref<1x256x128xi32, #tpu.memory_space<vmem>> -> memref<256x128xi32, #tpu.memory_space<vmem>>
    %dma_start3A_34 = arith.constant 0 : i32
    %dma_start3A_35 = tpu.memref_slice %arg13[%dma_start3A_34] : memref<512xi32, #tpu.memory_space<vmem>> -> memref<256xi32, #tpu.memory_space<vmem>>
    %dma_start3A_36 = arith.constant 0 : i32
    %dma_start3A_37 = arith.constant 0 : i32
    %dma_start3A_38 = tpu.memref_slice %arg5[%dma_start3A_36, %dma_start3A_37] : memref<253952x128xi32, #tpu.memory_space<hbm>> -> memref<253952x128xi32, #tpu.memory_space<hbm>>
    %dma_start3A_39 = tpu.memref_slice %arg15[%dma_start3A_29] : memref<3x!tpu.dma_semaphore, #tpu.memory_space<semaphore_mem>> -> memref<1x!tpu.dma_semaphore, #tpu.memory_space<semaphore_mem>>
    %dma_start3A_40 = tpu.memref_squeeze %dma_start3A_39 : memref<1x!tpu.dma_semaphore, #tpu.memory_space<semaphore_mem>> -> memref<!tpu.dma_semaphore, #tpu.memory_space<semaphore_mem>>
    tpu.enqueue_indirect_dma source(%dma_start3A_38 : memref<253952x128xi32, #tpu.memory_space<hbm>>) target(%dma_start3A_33 : memref<256x128xi32, #tpu.memory_space<vmem>>) offsets(%dma_start3A_35 : memref<256xi32, #tpu.memory_space<vmem>>) semaphore(%dma_start3A_40 : memref<!tpu.dma_semaphore, #tpu.memory_space<semaphore_mem>>)
    %dma_wait3A = arith.constant 0 : i32
    %dma_wait3A_41 = arith.constant 0 : i32
    %dma_wait3A_42 = arith.constant 0 : i32
    %dma_wait3A_43 = arith.constant 0 : i32
    %dma_wait3A_44 = tpu.memref_slice %arg14[%dma_wait3A, %dma_wait3A_42, %dma_wait3A_43] : memref<3x256x128xi32, #tpu.memory_space<vmem>> -> memref<1x256x128xi32, #tpu.memory_space<vmem>>
    %dma_wait3A_45 = tpu.memref_squeeze %dma_wait3A_44 : memref<1x256x128xi32, #tpu.memory_space<vmem>> -> memref<256x128xi32, #tpu.memory_space<vmem>>
    %dma_wait3A_46 = arith.constant 0 : i32
    %dma_wait3A_47 = tpu.memref_slice %arg12[%dma_wait3A_46] : memref<512xi32, #tpu.memory_space<vmem>> -> memref<256xi32, #tpu.memory_space<vmem>>
    %dma_wait3A_48 = arith.constant 0 : i32
    %dma_wait3A_49 = arith.constant 0 : i32
    %dma_wait3A_50 = tpu.memref_slice %arg4[%dma_wait3A_48, %dma_wait3A_49] : memref<253952x128xi32, #tpu.memory_space<hbm>> -> memref<253952x128xi32, #tpu.memory_space<hbm>>
    %dma_wait3A_51 = tpu.memref_slice %arg15[%dma_wait3A_41] : memref<3x!tpu.dma_semaphore, #tpu.memory_space<semaphore_mem>> -> memref<1x!tpu.dma_semaphore, #tpu.memory_space<semaphore_mem>>
    %dma_wait3A_52 = tpu.memref_squeeze %dma_wait3A_51 : memref<1x!tpu.dma_semaphore, #tpu.memory_space<semaphore_mem>> -> memref<!tpu.dma_semaphore, #tpu.memory_space<semaphore_mem>>
    tpu.wait_indirect_dma semaphore(%dma_wait3A_52 : memref<!tpu.dma_semaphore, #tpu.memory_space<semaphore_mem>>) src(%dma_wait3A_50 : memref<253952x128xi32, #tpu.memory_space<hbm>>) dst(%dma_wait3A_45 : memref<256x128xi32, #tpu.memory_space<vmem>>)
    %add3A_53 = arith.constant 0 : i32
    %add3A_54 = arith.addi %mul3A_2, %add3A_53 : i32
    %dma_start3A_55 = arith.constant 0 : i32
    %dma_start3A_56 = arith.constant 0 : i32
    %dma_start3A_57 = arith.constant 0 : i32
    %dma_start3A_58 = arith.constant 0 : i32
    %dma_start3A_59 = tpu.memref_slice %arg14[%dma_start3A_55, %dma_start3A_57, %dma_start3A_58] : memref<3x256x128xi32, #tpu.memory_space<vmem>> -> memref<1x256x128xi32, #tpu.memory_space<vmem>>
    %dma_start3A_60 = tpu.memref_squeeze %dma_start3A_59 : memref<1x256x128xi32, #tpu.memory_space<vmem>> -> memref<256x128xi32, #tpu.memory_space<vmem>>
    %dma_start3A_61 = arith.constant 0 : i32
    %dma_start3A_62 = tpu.memref_slice %arg8[%add3A_54, %dma_start3A_61] : memref<16384x128xi32, #tpu.memory_space<hbm>> -> memref<256x128xi32, #tpu.memory_space<hbm>>
    %dma_start3A_63 = tpu.memref_slice %arg16[%dma_start3A_56] : memref<3x!tpu.dma_semaphore, #tpu.memory_space<semaphore_mem>> -> memref<1x!tpu.dma_semaphore, #tpu.memory_space<semaphore_mem>>
    %dma_start3A_64 = tpu.memref_squeeze %dma_start3A_63 : memref<1x!tpu.dma_semaphore, #tpu.memory_space<semaphore_mem>> -> memref<!tpu.dma_semaphore, #tpu.memory_space<semaphore_mem>>
    %dma_start3A_65 = arith.constant 0 : i32
    %dma_start3A_66 = tpu.memref_slice %arg8[%add3A_54, %dma_start3A_65] : memref<16384x128xi32, #tpu.memory_space<hbm>> -> memref<256x128xi32, #tpu.memory_space<hbm>>
    %dma_start3A_67 = arith.constant 0 : i32
    %dma_start3A_68 = arith.constant 0 : i32
    %dma_start3A_69 = tpu.memref_slice %arg14[%dma_start3A_55, %dma_start3A_67, %dma_start3A_68] : memref<3x256x128xi32, #tpu.memory_space<vmem>> -> memref<1x256x128xi32, #tpu.memory_space<vmem>>
    %dma_start3A_70 = tpu.memref_squeeze %dma_start3A_69 : memref<1x256x128xi32, #tpu.memory_space<vmem>> -> memref<256x128xi32, #tpu.memory_space<vmem>>
    tpu.enqueue_dma source(%dma_start3A_70 : memref<256x128xi32, #tpu.memory_space<vmem>>) target(%dma_start3A_66 : memref<256x128xi32, #tpu.memory_space<hbm>>) target_semaphore(%dma_start3A_64 : memref<!tpu.dma_semaphore, #tpu.memory_space<semaphore_mem>>)
    %dma_wait3A_71 = arith.constant 0 : i32
    %dma_wait3A_72 = arith.constant 0 : i32
    %dma_wait3A_73 = arith.constant 0 : i32
    %dma_wait3A_74 = arith.constant 0 : i32
    %dma_wait3A_75 = tpu.memref_slice %arg14[%dma_wait3A_71, %dma_wait3A_73, %dma_wait3A_74] : memref<3x256x128xi32, #tpu.memory_space<vmem>> -> memref<1x256x128xi32, #tpu.memory_space<vmem>>
    %dma_wait3A_76 = tpu.memref_squeeze %dma_wait3A_75 : memref<1x256x128xi32, #tpu.memory_space<vmem>> -> memref<256x128xi32, #tpu.memory_space<vmem>>
    %dma_wait3A_77 = arith.constant 0 : i32
    %dma_wait3A_78 = tpu.memref_slice %arg8[%add3A_54, %dma_wait3A_77] : memref<16384x128xi32, #tpu.memory_space<hbm>> -> memref<256x128xi32, #tpu.memory_space<hbm>>
    %dma_wait3A_79 = tpu.memref_slice %arg16[%dma_wait3A_72] : memref<3x!tpu.dma_semaphore, #tpu.memory_space<semaphore_mem>> -> memref<1x!tpu.dma_semaphore, #tpu.memory_space<semaphore_mem>>
    %dma_wait3A_80 = tpu.memref_squeeze %dma_wait3A_79 : memref<1x!tpu.dma_semaphore, #tpu.memory_space<semaphore_mem>> -> memref<!tpu.dma_semaphore, #tpu.memory_space<semaphore_mem>>
    %dma_wait3A_81 = arith.constant 0 : i32
    %dma_wait3A_82 = tpu.memref_slice %arg8[%add3A_54, %dma_wait3A_81] : memref<16384x128xi32, #tpu.memory_space<hbm>> -> memref<256x128xi32, #tpu.memory_space<hbm>>
    %dma_wait3A_83 = arith.constant 0 : i32
    %dma_wait3A_84 = arith.constant 0 : i32
    %dma_wait3A_85 = tpu.memref_slice %arg14[%dma_wait3A_71, %dma_wait3A_83, %dma_wait3A_84] : memref<3x256x128xi32, #tpu.memory_space<vmem>> -> memref<1x256x128xi32, #tpu.memory_space<vmem>>
    %dma_wait3A_86 = tpu.memref_squeeze %dma_wait3A_85 : memref<1x256x128xi32, #tpu.memory_space<vmem>> -> memref<256x128xi32, #tpu.memory_space<vmem>>
    tpu.wait_dma2 semaphore(%dma_wait3A_80 : memref<!tpu.dma_semaphore, #tpu.memory_space<semaphore_mem>>) src(%dma_wait3A_86 : memref<256x128xi32, #tpu.memory_space<vmem>>) dst(%dma_wait3A_82 : memref<256x128xi32, #tpu.memory_space<hbm>>)
    %dma_start3A_87 = arith.constant 0 : i32
    %dma_start3A_88 = arith.constant 0 : i32
    %dma_start3A_89 = arith.constant 0 : i32
    %dma_start3A_90 = arith.constant 0 : i32
    %dma_start3A_91 = tpu.memref_slice %arg14[%dma_start3A_87, %dma_start3A_89, %dma_start3A_90] : memref<3x256x128xi32, #tpu.memory_space<vmem>> -> memref<1x256x128xi32, #tpu.memory_space<vmem>>
    %dma_start3A_92 = tpu.memref_squeeze %dma_start3A_91 : memref<1x256x128xi32, #tpu.memory_space<vmem>> -> memref<256x128xi32, #tpu.memory_space<vmem>>
    %dma_start3A_93 = arith.constant 256 : i32
    %dma_start3A_94 = tpu.memref_slice %arg13[%dma_start3A_93] : memref<512xi32, #tpu.memory_space<vmem>> -> memref<256xi32, #tpu.memory_space<vmem>>
    %dma_start3A_95 = arith.constant 0 : i32
    %dma_start3A_96 = arith.constant 0 : i32
    %dma_start3A_97 = tpu.memref_slice %arg5[%dma_start3A_95, %dma_start3A_96] : memref<253952x128xi32, #tpu.memory_space<hbm>> -> memref<253952x128xi32, #tpu.memory_space<hbm>>
    %dma_start3A_98 = tpu.memref_slice %arg15[%dma_start3A_88] : memref<3x!tpu.dma_semaphore, #tpu.memory_space<semaphore_mem>> -> memref<1x!tpu.dma_semaphore, #tpu.memory_space<semaphore_mem>>
    %dma_start3A_99 = tpu.memref_squeeze %dma_start3A_98 : memref<1x!tpu.dma_semaphore, #tpu.memory_space<semaphore_mem>> -> memref<!tpu.dma_semaphore, #tpu.memory_space<semaphore_mem>>
    tpu.enqueue_indirect_dma source(%dma_start3A_97 : memref<253952x128xi32, #tpu.memory_space<hbm>>) target(%dma_start3A_92 : memref<256x128xi32, #tpu.memory_space<vmem>>) offsets(%dma_start3A_94 : memref<256xi32, #tpu.memory_space<vmem>>) semaphore(%dma_start3A_99 : memref<!tpu.dma_semaphore, #tpu.memory_space<semaphore_mem>>)
    %dma_wait3A_100 = arith.constant 1 : i32
    %dma_wait3A_101 = arith.constant 1 : i32
    %dma_wait3A_102 = arith.constant 0 : i32
    %dma_wait3A_103 = arith.constant 0 : i32
    %dma_wait3A_104 = tpu.memref_slice %arg14[%dma_wait3A_100, %dma_wait3A_102, %dma_wait3A_103] : memref<3x256x128xi32, #tpu.memory_space<vmem>> -> memref<1x256x128xi32, #tpu.memory_space<vmem>>
    %dma_wait3A_105 = tpu.memref_squeeze %dma_wait3A_104 : memref<1x256x128xi32, #tpu.memory_space<vmem>> -> memref<256x128xi32, #tpu.memory_space<vmem>>
    %dma_wait3A_106 = arith.constant 256 : i32
    %dma_wait3A_107 = tpu.memref_slice %arg12[%dma_wait3A_106] : memref<512xi32, #tpu.memory_space<vmem>> -> memref<256xi32, #tpu.memory_space<vmem>>
    %dma_wait3A_108 = arith.constant 0 : i32
    %dma_wait3A_109 = arith.constant 0 : i32
    %dma_wait3A_110 = tpu.memref_slice %arg4[%dma_wait3A_108, %dma_wait3A_109] : memref<253952x128xi32, #tpu.memory_space<hbm>> -> memref<253952x128xi32, #tpu.memory_space<hbm>>
    %dma_wait3A_111 = tpu.memref_slice %arg15[%dma_wait3A_101] : memref<3x!tpu.dma_semaphore, #tpu.memory_space<semaphore_mem>> -> memref<1x!tpu.dma_semaphore, #tpu.memory_space<semaphore_mem>>
    %dma_wait3A_112 = tpu.memref_squeeze %dma_wait3A_111 : memref<1x!tpu.dma_semaphore, #tpu.memory_space<semaphore_mem>> -> memref<!tpu.dma_semaphore, #tpu.memory_space<semaphore_mem>>
    tpu.wait_indirect_dma semaphore(%dma_wait3A_112 : memref<!tpu.dma_semaphore, #tpu.memory_space<semaphore_mem>>) src(%dma_wait3A_110 : memref<253952x128xi32, #tpu.memory_space<hbm>>) dst(%dma_wait3A_105 : memref<256x128xi32, #tpu.memory_space<vmem>>)
    %add3A_113 = arith.constant 256 : i32
    %add3A_114 = arith.addi %mul3A_2, %add3A_113 : i32
    %dma_start3A_115 = arith.constant 1 : i32
    %dma_start3A_116 = arith.constant 1 : i32
    %dma_start3A_117 = arith.constant 0 : i32
    %dma_start3A_118 = arith.constant 0 : i32
    %dma_start3A_119 = tpu.memref_slice %arg14[%dma_start3A_115, %dma_start3A_117, %dma_start3A_118] : memref<3x256x128xi32, #tpu.memory_space<vmem>> -> memref<1x256x128xi32, #tpu.memory_space<vmem>>
    %dma_start3A_120 = tpu.memref_squeeze %dma_start3A_119 : memref<1x256x128xi32, #tpu.memory_space<vmem>> -> memref<256x128xi32, #tpu.memory_space<vmem>>
    %dma_start3A_121 = arith.constant 0 : i32
    %dma_start3A_122 = tpu.memref_slice %arg8[%add3A_114, %dma_start3A_121] : memref<16384x128xi32, #tpu.memory_space<hbm>> -> memref<256x128xi32, #tpu.memory_space<hbm>>
    %dma_start3A_123 = tpu.memref_slice %arg16[%dma_start3A_116] : memref<3x!tpu.dma_semaphore, #tpu.memory_space<semaphore_mem>> -> memref<1x!tpu.dma_semaphore, #tpu.memory_space<semaphore_mem>>
    %dma_start3A_124 = tpu.memref_squeeze %dma_start3A_123 : memref<1x!tpu.dma_semaphore, #tpu.memory_space<semaphore_mem>> -> memref<!tpu.dma_semaphore, #tpu.memory_space<semaphore_mem>>
    %dma_start3A_125 = arith.constant 0 : i32
    %dma_start3A_126 = tpu.memref_slice %arg8[%add3A_114, %dma_start3A_125] : memref<16384x128xi32, #tpu.memory_space<hbm>> -> memref<256x128xi32, #tpu.memory_space<hbm>>
    %dma_start3A_127 = arith.constant 0 : i32
    %dma_start3A_128 = arith.constant 0 : i32
    %dma_start3A_129 = tpu.memref_slice %arg14[%dma_start3A_115, %dma_start3A_127, %dma_start3A_128] : memref<3x256x128xi32, #tpu.memory_space<vmem>> -> memref<1x256x128xi32, #tpu.memory_space<vmem>>
    %dma_start3A_130 = tpu.memref_squeeze %dma_start3A_129 : memref<1x256x128xi32, #tpu.memory_space<vmem>> -> memref<256x128xi32, #tpu.memory_space<vmem>>
    tpu.enqueue_dma source(%dma_start3A_130 : memref<256x128xi32, #tpu.memory_space<vmem>>) target(%dma_start3A_126 : memref<256x128xi32, #tpu.memory_space<hbm>>) target_semaphore(%dma_start3A_124 : memref<!tpu.dma_semaphore, #tpu.memory_space<semaphore_mem>>)
    %dma_wait3A_131 = arith.constant 1 : i32
    %dma_wait3A_132 = arith.constant 1 : i32
    %dma_wait3A_133 = arith.constant 0 : i32
    %dma_wait3A_134 = arith.constant 0 : i32
    %dma_wait3A_135 = tpu.memref_slice %arg14[%dma_wait3A_131, %dma_wait3A_133, %dma_wait3A_134] : memref<3x256x128xi32, #tpu.memory_space<vmem>> -> memref<1x256x128xi32, #tpu.memory_space<vmem>>
    %dma_wait3A_136 = tpu.memref_squeeze %dma_wait3A_135 : memref<1x256x128xi32, #tpu.memory_space<vmem>> -> memref<256x128xi32, #tpu.memory_space<vmem>>
    %dma_wait3A_137 = arith.constant 0 : i32
    %dma_wait3A_138 = tpu.memref_slice %arg8[%add3A_114, %dma_wait3A_137] : memref<16384x128xi32, #tpu.memory_space<hbm>> -> memref<256x128xi32, #tpu.memory_space<hbm>>
    %dma_wait3A_139 = tpu.memref_slice %arg16[%dma_wait3A_132] : memref<3x!tpu.dma_semaphore, #tpu.memory_space<semaphore_mem>> -> memref<1x!tpu.dma_semaphore, #tpu.memory_space<semaphore_mem>>
    %dma_wait3A_140 = tpu.memref_squeeze %dma_wait3A_139 : memref<1x!tpu.dma_semaphore, #tpu.memory_space<semaphore_mem>> -> memref<!tpu.dma_semaphore, #tpu.memory_space<semaphore_mem>>
    %dma_wait3A_141 = arith.constant 0 : i32
    %dma_wait3A_142 = tpu.memref_slice %arg8[%add3A_114, %dma_wait3A_141] : memref<16384x128xi32, #tpu.memory_space<hbm>> -> memref<256x128xi32, #tpu.memory_space<hbm>>
    %dma_wait3A_143 = arith.constant 0 : i32
    %dma_wait3A_144 = arith.constant 0 : i32
    %dma_wait3A_145 = tpu.memref_slice %arg14[%dma_wait3A_131, %dma_wait3A_143, %dma_wait3A_144] : memref<3x256x128xi32, #tpu.memory_space<vmem>> -> memref<1x256x128xi32, #tpu.memory_space<vmem>>
    %dma_wait3A_146 = tpu.memref_squeeze %dma_wait3A_145 : memref<1x256x128xi32, #tpu.memory_space<vmem>> -> memref<256x128xi32, #tpu.memory_space<vmem>>
    tpu.wait_dma2 semaphore(%dma_wait3A_140 : memref<!tpu.dma_semaphore, #tpu.memory_space<semaphore_mem>>) src(%dma_wait3A_146 : memref<256x128xi32, #tpu.memory_space<vmem>>) dst(%dma_wait3A_142 : memref<256x128xi32, #tpu.memory_space<hbm>>)
    %dma_start3A_147 = arith.constant 1 : i32
    %dma_start3A_148 = arith.constant 1 : i32
    %dma_start3A_149 = arith.constant 0 : i32
    %dma_start3A_150 = arith.constant 0 : i32
    %dma_start3A_151 = tpu.memref_slice %arg14[%dma_start3A_147, %dma_start3A_149, %dma_start3A_150] : memref<3x256x128xi32, #tpu.memory_space<vmem>> -> memref<1x256x128xi32, #tpu.memory_space<vmem>>
    %dma_start3A_152 = tpu.memref_squeeze %dma_start3A_151 : memref<1x256x128xi32, #tpu.memory_space<vmem>> -> memref<256x128xi32, #tpu.memory_space<vmem>>
    %dma_start3A_153 = arith.constant 0 : i32
    %dma_start3A_154 = tpu.memref_slice %arg12[%dma_start3A_153] : memref<512xi32, #tpu.memory_space<vmem>> -> memref<256xi32, #tpu.memory_space<vmem>>
    %dma_start3A_155 = arith.constant 0 : i32
    %dma_start3A_156 = arith.constant 0 : i32
    %dma_start3A_157 = tpu.memref_slice %arg6[%dma_start3A_155, %dma_start3A_156] : memref<253952x128xi32, #tpu.memory_space<hbm>> -> memref<253952x128xi32, #tpu.memory_space<hbm>>
    %dma_start3A_158 = tpu.memref_slice %arg15[%dma_start3A_148] : memref<3x!tpu.dma_semaphore, #tpu.memory_space<semaphore_mem>> -> memref<1x!tpu.dma_semaphore, #tpu.memory_space<semaphore_mem>>
    %dma_start3A_159 = tpu.memref_squeeze %dma_start3A_158 : memref<1x!tpu.dma_semaphore, #tpu.memory_space<semaphore_mem>> -> memref<!tpu.dma_semaphore, #tpu.memory_space<semaphore_mem>>
    tpu.enqueue_indirect_dma source(%dma_start3A_157 : memref<253952x128xi32, #tpu.memory_space<hbm>>) target(%dma_start3A_152 : memref<256x128xi32, #tpu.memory_space<vmem>>) offsets(%dma_start3A_154 : memref<256xi32, #tpu.memory_space<vmem>>) semaphore(%dma_start3A_159 : memref<!tpu.dma_semaphore, #tpu.memory_space<semaphore_mem>>)
    %dma_wait3A_160 = arith.constant 2 : i32
    %dma_wait3A_161 = arith.constant 2 : i32
    %dma_wait3A_162 = arith.constant 0 : i32
    %dma_wait3A_163 = arith.constant 0 : i32
    %dma_wait3A_164 = tpu.memref_slice %arg14[%dma_wait3A_160, %dma_wait3A_162, %dma_wait3A_163] : memref<3x256x128xi32, #tpu.memory_space<vmem>> -> memref<1x256x128xi32, #tpu.memory_space<vmem>>
    %dma_wait3A_165 = tpu.memref_squeeze %dma_wait3A_164 : memref<1x256x128xi32, #tpu.memory_space<vmem>> -> memref<256x128xi32, #tpu.memory_space<vmem>>
    %dma_wait3A_166 = arith.constant 0 : i32
    %dma_wait3A_167 = tpu.memref_slice %arg13[%dma_wait3A_166] : memref<512xi32, #tpu.memory_space<vmem>> -> memref<256xi32, #tpu.memory_space<vmem>>
    %dma_wait3A_168 = arith.constant 0 : i32
    %dma_wait3A_169 = arith.constant 0 : i32
    %dma_wait3A_170 = tpu.memref_slice %arg5[%dma_wait3A_168, %dma_wait3A_169] : memref<253952x128xi32, #tpu.memory_space<hbm>> -> memref<253952x128xi32, #tpu.memory_space<hbm>>
    %dma_wait3A_171 = tpu.memref_slice %arg15[%dma_wait3A_161] : memref<3x!tpu.dma_semaphore, #tpu.memory_space<semaphore_mem>> -> memref<1x!tpu.dma_semaphore, #tpu.memory_space<semaphore_mem>>
    %dma_wait3A_172 = tpu.memref_squeeze %dma_wait3A_171 : memref<1x!tpu.dma_semaphore, #tpu.memory_space<semaphore_mem>> -> memref<!tpu.dma_semaphore, #tpu.memory_space<semaphore_mem>>
    tpu.wait_indirect_dma semaphore(%dma_wait3A_172 : memref<!tpu.dma_semaphore, #tpu.memory_space<semaphore_mem>>) src(%dma_wait3A_170 : memref<253952x128xi32, #tpu.memory_space<hbm>>) dst(%dma_wait3A_165 : memref<256x128xi32, #tpu.memory_space<vmem>>)
    %add3A_173 = arith.constant 0 : i32
    %add3A_174 = arith.addi %mul3A_2, %add3A_173 : i32
    %dma_start3A_175 = arith.constant 2 : i32
    %dma_start3A_176 = arith.constant 2 : i32
    %dma_start3A_177 = arith.constant 0 : i32
    %dma_start3A_178 = arith.constant 0 : i32
    %dma_start3A_179 = tpu.memref_slice %arg14[%dma_start3A_175, %dma_start3A_177, %dma_start3A_178] : memref<3x256x128xi32, #tpu.memory_space<vmem>> -> memref<1x256x128xi32, #tpu.memory_space<vmem>>
    %dma_start3A_180 = tpu.memref_squeeze %dma_start3A_179 : memref<1x256x128xi32, #tpu.memory_space<vmem>> -> memref<256x128xi32, #tpu.memory_space<vmem>>
    %dma_start3A_181 = arith.constant 0 : i32
    %dma_start3A_182 = tpu.memref_slice %arg9[%add3A_174, %dma_start3A_181] : memref<16384x128xi32, #tpu.memory_space<hbm>> -> memref<256x128xi32, #tpu.memory_space<hbm>>
    %dma_start3A_183 = tpu.memref_slice %arg16[%dma_start3A_176] : memref<3x!tpu.dma_semaphore, #tpu.memory_space<semaphore_mem>> -> memref<1x!tpu.dma_semaphore, #tpu.memory_space<semaphore_mem>>
    %dma_start3A_184 = tpu.memref_squeeze %dma_start3A_183 : memref<1x!tpu.dma_semaphore, #tpu.memory_space<semaphore_mem>> -> memref<!tpu.dma_semaphore, #tpu.memory_space<semaphore_mem>>
    %dma_start3A_185 = arith.constant 0 : i32
    %dma_start3A_186 = tpu.memref_slice %arg9[%add3A_174, %dma_start3A_185] : memref<16384x128xi32, #tpu.memory_space<hbm>> -> memref<256x128xi32, #tpu.memory_space<hbm>>
    %dma_start3A_187 = arith.constant 0 : i32
    %dma_start3A_188 = arith.constant 0 : i32
    %dma_start3A_189 = tpu.memref_slice %arg14[%dma_start3A_175, %dma_start3A_187, %dma_start3A_188] : memref<3x256x128xi32, #tpu.memory_space<vmem>> -> memref<1x256x128xi32, #tpu.memory_space<vmem>>
    %dma_start3A_190 = tpu.memref_squeeze %dma_start3A_189 : memref<1x256x128xi32, #tpu.memory_space<vmem>> -> memref<256x128xi32, #tpu.memory_space<vmem>>
    tpu.enqueue_dma source(%dma_start3A_190 : memref<256x128xi32, #tpu.memory_space<vmem>>) target(%dma_start3A_186 : memref<256x128xi32, #tpu.memory_space<hbm>>) target_semaphore(%dma_start3A_184 : memref<!tpu.dma_semaphore, #tpu.memory_space<semaphore_mem>>)
    %dma_wait3A_191 = arith.constant 2 : i32
    %dma_wait3A_192 = arith.constant 2 : i32
    %dma_wait3A_193 = arith.constant 0 : i32
    %dma_wait3A_194 = arith.constant 0 : i32
    %dma_wait3A_195 = tpu.memref_slice %arg14[%dma_wait3A_191, %dma_wait3A_193, %dma_wait3A_194] : memref<3x256x128xi32, #tpu.memory_space<vmem>> -> memref<1x256x128xi32, #tpu.memory_space<vmem>>
    %dma_wait3A_196 = tpu.memref_squeeze %dma_wait3A_195 : memref<1x256x128xi32, #tpu.memory_space<vmem>> -> memref<256x128xi32, #tpu.memory_space<vmem>>
    %dma_wait3A_197 = arith.constant 0 : i32
    %dma_wait3A_198 = tpu.memref_slice %arg9[%add3A_174, %dma_wait3A_197] : memref<16384x128xi32, #tpu.memory_space<hbm>> -> memref<256x128xi32, #tpu.memory_space<hbm>>
    %dma_wait3A_199 = tpu.memref_slice %arg16[%dma_wait3A_192] : memref<3x!tpu.dma_semaphore, #tpu.memory_space<semaphore_mem>> -> memref<1x!tpu.dma_semaphore, #tpu.memory_space<semaphore_mem>>
    %dma_wait3A_200 = tpu.memref_squeeze %dma_wait3A_199 : memref<1x!tpu.dma_semaphore, #tpu.memory_space<semaphore_mem>> -> memref<!tpu.dma_semaphore, #tpu.memory_space<semaphore_mem>>
    %dma_wait3A_201 = arith.constant 0 : i32
    %dma_wait3A_202 = tpu.memref_slice %arg9[%add3A_174, %dma_wait3A_201] : memref<16384x128xi32, #tpu.memory_space<hbm>> -> memref<256x128xi32, #tpu.memory_space<hbm>>
    %dma_wait3A_203 = arith.constant 0 : i32
    %dma_wait3A_204 = arith.constant 0 : i32
    %dma_wait3A_205 = tpu.memref_slice %arg14[%dma_wait3A_191, %dma_wait3A_203, %dma_wait3A_204] : memref<3x256x128xi32, #tpu.memory_space<vmem>> -> memref<1x256x128xi32, #tpu.memory_space<vmem>>
    %dma_wait3A_206 = tpu.memref_squeeze %dma_wait3A_205 : memref<1x256x128xi32, #tpu.memory_space<vmem>> -> memref<256x128xi32, #tpu.memory_space<vmem>>
    tpu.wait_dma2 semaphore(%dma_wait3A_200 : memref<!tpu.dma_semaphore, #tpu.memory_space<semaphore_mem>>) src(%dma_wait3A_206 : memref<256x128xi32, #tpu.memory_space<vmem>>) dst(%dma_wait3A_202 : memref<256x128xi32, #tpu.memory_space<hbm>>)
    %dma_start3A_207 = arith.constant 2 : i32
    %dma_start3A_208 = arith.constant 2 : i32
    %dma_start3A_209 = arith.constant 0 : i32
    %dma_start3A_210 = arith.constant 0 : i32
    %dma_start3A_211 = tpu.memref_slice %arg14[%dma_start3A_207, %dma_start3A_209, %dma_start3A_210] : memref<3x256x128xi32, #tpu.memory_space<vmem>> -> memref<1x256x128xi32, #tpu.memory_space<vmem>>
    %dma_start3A_212 = tpu.memref_squeeze %dma_start3A_211 : memref<1x256x128xi32, #tpu.memory_space<vmem>> -> memref<256x128xi32, #tpu.memory_space<vmem>>
    %dma_start3A_213 = arith.constant 256 : i32
    %dma_start3A_214 = tpu.memref_slice %arg12[%dma_start3A_213] : memref<512xi32, #tpu.memory_space<vmem>> -> memref<256xi32, #tpu.memory_space<vmem>>
    %dma_start3A_215 = arith.constant 0 : i32
    %dma_start3A_216 = arith.constant 0 : i32
    %dma_start3A_217 = tpu.memref_slice %arg6[%dma_start3A_215, %dma_start3A_216] : memref<253952x128xi32, #tpu.memory_space<hbm>> -> memref<253952x128xi32, #tpu.memory_space<hbm>>
    %dma_start3A_218 = tpu.memref_slice %arg15[%dma_start3A_208] : memref<3x!tpu.dma_semaphore, #tpu.memory_space<semaphore_mem>> -> memref<1x!tpu.dma_semaphore, #tpu.memory_space<semaphore_mem>>
    %dma_start3A_219 = tpu.memref_squeeze %dma_start3A_218 : memref<1x!tpu.dma_semaphore, #tpu.memory_space<semaphore_mem>> -> memref<!tpu.dma_semaphore, #tpu.memory_space<semaphore_mem>>
    tpu.enqueue_indirect_dma source(%dma_start3A_217 : memref<253952x128xi32, #tpu.memory_space<hbm>>) target(%dma_start3A_212 : memref<256x128xi32, #tpu.memory_space<vmem>>) offsets(%dma_start3A_214 : memref<256xi32, #tpu.memory_space<vmem>>) semaphore(%dma_start3A_219 : memref<!tpu.dma_semaphore, #tpu.memory_space<semaphore_mem>>)
    %dma_wait3A_220 = arith.constant 0 : i32
    %dma_wait3A_221 = arith.constant 0 : i32
    %dma_wait3A_222 = arith.constant 0 : i32
    %dma_wait3A_223 = arith.constant 0 : i32
    %dma_wait3A_224 = tpu.memref_slice %arg14[%dma_wait3A_220, %dma_wait3A_222, %dma_wait3A_223] : memref<3x256x128xi32, #tpu.memory_space<vmem>> -> memref<1x256x128xi32, #tpu.memory_space<vmem>>
    %dma_wait3A_225 = tpu.memref_squeeze %dma_wait3A_224 : memref<1x256x128xi32, #tpu.memory_space<vmem>> -> memref<256x128xi32, #tpu.memory_space<vmem>>
    %dma_wait3A_226 = arith.constant 256 : i32
    %dma_wait3A_227 = tpu.memref_slice %arg13[%dma_wait3A_226] : memref<512xi32, #tpu.memory_space<vmem>> -> memref<256xi32, #tpu.memory_space<vmem>>
    %dma_wait3A_228 = arith.constant 0 : i32
    %dma_wait3A_229 = arith.constant 0 : i32
    %dma_wait3A_230 = tpu.memref_slice %arg5[%dma_wait3A_228, %dma_wait3A_229] : memref<253952x128xi32, #tpu.memory_space<hbm>> -> memref<253952x128xi32, #tpu.memory_space<hbm>>
    %dma_wait3A_231 = tpu.memref_slice %arg15[%dma_wait3A_221] : memref<3x!tpu.dma_semaphore, #tpu.memory_space<semaphore_mem>> -> memref<1x!tpu.dma_semaphore, #tpu.memory_space<semaphore_mem>>
    %dma_wait3A_232 = tpu.memref_squeeze %dma_wait3A_231 : memref<1x!tpu.dma_semaphore, #tpu.memory_space<semaphore_mem>> -> memref<!tpu.dma_semaphore, #tpu.memory_space<semaphore_mem>>
    tpu.wait_indirect_dma semaphore(%dma_wait3A_232 : memref<!tpu.dma_semaphore, #tpu.memory_space<semaphore_mem>>) src(%dma_wait3A_230 : memref<253952x128xi32, #tpu.memory_space<hbm>>) dst(%dma_wait3A_225 : memref<256x128xi32, #tpu.memory_space<vmem>>)
    %add3A_233 = arith.constant 256 : i32
    %add3A_234 = arith.addi %mul3A_2, %add3A_233 : i32
    %dma_start3A_235 = arith.constant 0 : i32
    %dma_start3A_236 = arith.constant 0 : i32
    %dma_start3A_237 = arith.constant 0 : i32
    %dma_start3A_238 = arith.constant 0 : i32
    %dma_start3A_239 = tpu.memref_slice %arg14[%dma_start3A_235, %dma_start3A_237, %dma_start3A_238] : memref<3x256x128xi32, #tpu.memory_space<vmem>> -> memref<1x256x128xi32, #tpu.memory_space<vmem>>
    %dma_start3A_240 = tpu.memref_squeeze %dma_start3A_239 : memref<1x256x128xi32, #tpu.memory_space<vmem>> -> memref<256x128xi32, #tpu.memory_space<vmem>>
    %dma_start3A_241 = arith.constant 0 : i32
    %dma_start3A_242 = tpu.memref_slice %arg9[%add3A_234, %dma_start3A_241] : memref<16384x128xi32, #tpu.memory_space<hbm>> -> memref<256x128xi32, #tpu.memory_space<hbm>>
    %dma_start3A_243 = tpu.memref_slice %arg16[%dma_start3A_236] : memref<3x!tpu.dma_semaphore, #tpu.memory_space<semaphore_mem>> -> memref<1x!tpu.dma_semaphore, #tpu.memory_space<semaphore_mem>>
    %dma_start3A_244 = tpu.memref_squeeze %dma_start3A_243 : memref<1x!tpu.dma_semaphore, #tpu.memory_space<semaphore_mem>> -> memref<!tpu.dma_semaphore, #tpu.memory_space<semaphore_mem>>
    %dma_start3A_245 = arith.constant 0 : i32
    %dma_start3A_246 = tpu.memref_slice %arg9[%add3A_234, %dma_start3A_245] : memref<16384x128xi32, #tpu.memory_space<hbm>> -> memref<256x128xi32, #tpu.memory_space<hbm>>
    %dma_start3A_247 = arith.constant 0 : i32
    %dma_start3A_248 = arith.constant 0 : i32
    %dma_start3A_249 = tpu.memref_slice %arg14[%dma_start3A_235, %dma_start3A_247, %dma_start3A_248] : memref<3x256x128xi32, #tpu.memory_space<vmem>> -> memref<1x256x128xi32, #tpu.memory_space<vmem>>
    %dma_start3A_250 = tpu.memref_squeeze %dma_start3A_249 : memref<1x256x128xi32, #tpu.memory_space<vmem>> -> memref<256x128xi32, #tpu.memory_space<vmem>>
    tpu.enqueue_dma source(%dma_start3A_250 : memref<256x128xi32, #tpu.memory_space<vmem>>) target(%dma_start3A_246 : memref<256x128xi32, #tpu.memory_space<hbm>>) target_semaphore(%dma_start3A_244 : memref<!tpu.dma_semaphore, #tpu.memory_space<semaphore_mem>>)
    %dma_wait3A_251 = arith.constant 0 : i32
    %dma_wait3A_252 = arith.constant 0 : i32
    %dma_wait3A_253 = arith.constant 0 : i32
    %dma_wait3A_254 = arith.constant 0 : i32
    %dma_wait3A_255 = tpu.memref_slice %arg14[%dma_wait3A_251, %dma_wait3A_253, %dma_wait3A_254] : memref<3x256x128xi32, #tpu.memory_space<vmem>> -> memref<1x256x128xi32, #tpu.memory_space<vmem>>
    %dma_wait3A_256 = tpu.memref_squeeze %dma_wait3A_255 : memref<1x256x128xi32, #tpu.memory_space<vmem>> -> memref<256x128xi32, #tpu.memory_space<vmem>>
    %dma_wait3A_257 = arith.constant 0 : i32
    %dma_wait3A_258 = tpu.memref_slice %arg9[%add3A_234, %dma_wait3A_257] : memref<16384x128xi32, #tpu.memory_space<hbm>> -> memref<256x128xi32, #tpu.memory_space<hbm>>
    %dma_wait3A_259 = tpu.memref_slice %arg16[%dma_wait3A_252] : memref<3x!tpu.dma_semaphore, #tpu.memory_space<semaphore_mem>> -> memref<1x!tpu.dma_semaphore, #tpu.memory_space<semaphore_mem>>
    %dma_wait3A_260 = tpu.memref_squeeze %dma_wait3A_259 : memref<1x!tpu.dma_semaphore, #tpu.memory_space<semaphore_mem>> -> memref<!tpu.dma_semaphore, #tpu.memory_space<semaphore_mem>>
    %dma_wait3A_261 = arith.constant 0 : i32
    %dma_wait3A_262 = tpu.memref_slice %arg9[%add3A_234, %dma_wait3A_261] : memref<16384x128xi32, #tpu.memory_space<hbm>> -> memref<256x128xi32, #tpu.memory_space<hbm>>
    %dma_wait3A_263 = arith.constant 0 : i32
    %dma_wait3A_264 = arith.constant 0 : i32
    %dma_wait3A_265 = tpu.memref_slice %arg14[%dma_wait3A_251, %dma_wait3A_263, %dma_wait3A_264] : memref<3x256x128xi32, #tpu.memory_space<vmem>> -> memref<1x256x128xi32, #tpu.memory_space<vmem>>
    %dma_wait3A_266 = tpu.memref_squeeze %dma_wait3A_265 : memref<1x256x128xi32, #tpu.memory_space<vmem>> -> memref<256x128xi32, #tpu.memory_space<vmem>>
    tpu.wait_dma2 semaphore(%dma_wait3A_260 : memref<!tpu.dma_semaphore, #tpu.memory_space<semaphore_mem>>) src(%dma_wait3A_266 : memref<256x128xi32, #tpu.memory_space<vmem>>) dst(%dma_wait3A_262 : memref<256x128xi32, #tpu.memory_space<hbm>>)
    %dma_start3A_267 = arith.constant 0 : i32
    %dma_start3A_268 = arith.constant 0 : i32
    %dma_start3A_269 = arith.constant 0 : i32
    %dma_start3A_270 = arith.constant 0 : i32
    %dma_start3A_271 = tpu.memref_slice %arg14[%dma_start3A_267, %dma_start3A_269, %dma_start3A_270] : memref<3x256x128xi32, #tpu.memory_space<vmem>> -> memref<1x256x128xi32, #tpu.memory_space<vmem>>
    %dma_start3A_272 = tpu.memref_squeeze %dma_start3A_271 : memref<1x256x128xi32, #tpu.memory_space<vmem>> -> memref<256x128xi32, #tpu.memory_space<vmem>>
    %dma_start3A_273 = arith.constant 0 : i32
    %dma_start3A_274 = tpu.memref_slice %arg13[%dma_start3A_273] : memref<512xi32, #tpu.memory_space<vmem>> -> memref<256xi32, #tpu.memory_space<vmem>>
    %dma_start3A_275 = arith.constant 0 : i32
    %dma_start3A_276 = arith.constant 0 : i32
    %dma_start3A_277 = tpu.memref_slice %arg7[%dma_start3A_275, %dma_start3A_276] : memref<253952x128xi32, #tpu.memory_space<hbm>> -> memref<253952x128xi32, #tpu.memory_space<hbm>>
    %dma_start3A_278 = tpu.memref_slice %arg15[%dma_start3A_268] : memref<3x!tpu.dma_semaphore, #tpu.memory_space<semaphore_mem>> -> memref<1x!tpu.dma_semaphore, #tpu.memory_space<semaphore_mem>>
    %dma_start3A_279 = tpu.memref_squeeze %dma_start3A_278 : memref<1x!tpu.dma_semaphore, #tpu.memory_space<semaphore_mem>> -> memref<!tpu.dma_semaphore, #tpu.memory_space<semaphore_mem>>
    tpu.enqueue_indirect_dma source(%dma_start3A_277 : memref<253952x128xi32, #tpu.memory_space<hbm>>) target(%dma_start3A_272 : memref<256x128xi32, #tpu.memory_space<vmem>>) offsets(%dma_start3A_274 : memref<256xi32, #tpu.memory_space<vmem>>) semaphore(%dma_start3A_279 : memref<!tpu.dma_semaphore, #tpu.memory_space<semaphore_mem>>)
    %dma_wait3A_280 = arith.constant 1 : i32
    %dma_wait3A_281 = arith.constant 1 : i32
    %dma_wait3A_282 = arith.constant 0 : i32
    %dma_wait3A_283 = arith.constant 0 : i32
    %dma_wait3A_284 = tpu.memref_slice %arg14[%dma_wait3A_280, %dma_wait3A_282, %dma_wait3A_283] : memref<3x256x128xi32, #tpu.memory_space<vmem>> -> memref<1x256x128xi32, #tpu.memory_space<vmem>>
    %dma_wait3A_285 = tpu.memref_squeeze %dma_wait3A_284 : memref<1x256x128xi32, #tpu.memory_space<vmem>> -> memref<256x128xi32, #tpu.memory_space<vmem>>
    %dma_wait3A_286 = arith.constant 0 : i32
    %dma_wait3A_287 = tpu.memref_slice %arg12[%dma_wait3A_286] : memref<512xi32, #tpu.memory_space<vmem>> -> memref<256xi32, #tpu.memory_space<vmem>>
    %dma_wait3A_288 = arith.constant 0 : i32
    %dma_wait3A_289 = arith.constant 0 : i32
    %dma_wait3A_290 = tpu.memref_slice %arg6[%dma_wait3A_288, %dma_wait3A_289] : memref<253952x128xi32, #tpu.memory_space<hbm>> -> memref<253952x128xi32, #tpu.memory_space<hbm>>
    %dma_wait3A_291 = tpu.memref_slice %arg15[%dma_wait3A_281] : memref<3x!tpu.dma_semaphore, #tpu.memory_space<semaphore_mem>> -> memref<1x!tpu.dma_semaphore, #tpu.memory_space<semaphore_mem>>
    %dma_wait3A_292 = tpu.memref_squeeze %dma_wait3A_291 : memref<1x!tpu.dma_semaphore, #tpu.memory_space<semaphore_mem>> -> memref<!tpu.dma_semaphore, #tpu.memory_space<semaphore_mem>>
    tpu.wait_indirect_dma semaphore(%dma_wait3A_292 : memref<!tpu.dma_semaphore, #tpu.memory_space<semaphore_mem>>) src(%dma_wait3A_290 : memref<253952x128xi32, #tpu.memory_space<hbm>>) dst(%dma_wait3A_285 : memref<256x128xi32, #tpu.memory_space<vmem>>)
    %add3A_293 = arith.constant 0 : i32
    %add3A_294 = arith.addi %mul3A_2, %add3A_293 : i32
    %dma_start3A_295 = arith.constant 1 : i32
    %dma_start3A_296 = arith.constant 1 : i32
    %dma_start3A_297 = arith.constant 0 : i32
    %dma_start3A_298 = arith.constant 0 : i32
    %dma_start3A_299 = tpu.memref_slice %arg14[%dma_start3A_295, %dma_start3A_297, %dma_start3A_298] : memref<3x256x128xi32, #tpu.memory_space<vmem>> -> memref<1x256x128xi32, #tpu.memory_space<vmem>>
    %dma_start3A_300 = tpu.memref_squeeze %dma_start3A_299 : memref<1x256x128xi32, #tpu.memory_space<vmem>> -> memref<256x128xi32, #tpu.memory_space<vmem>>
    %dma_start3A_301 = arith.constant 0 : i32
    %dma_start3A_302 = tpu.memref_slice %arg10[%add3A_294, %dma_start3A_301] : memref<16384x128xi32, #tpu.memory_space<hbm>> -> memref<256x128xi32, #tpu.memory_space<hbm>>
    %dma_start3A_303 = tpu.memref_slice %arg16[%dma_start3A_296] : memref<3x!tpu.dma_semaphore, #tpu.memory_space<semaphore_mem>> -> memref<1x!tpu.dma_semaphore, #tpu.memory_space<semaphore_mem>>
    %dma_start3A_304 = tpu.memref_squeeze %dma_start3A_303 : memref<1x!tpu.dma_semaphore, #tpu.memory_space<semaphore_mem>> -> memref<!tpu.dma_semaphore, #tpu.memory_space<semaphore_mem>>
    %dma_start3A_305 = arith.constant 0 : i32
    %dma_start3A_306 = tpu.memref_slice %arg10[%add3A_294, %dma_start3A_305] : memref<16384x128xi32, #tpu.memory_space<hbm>> -> memref<256x128xi32, #tpu.memory_space<hbm>>
    %dma_start3A_307 = arith.constant 0 : i32
    %dma_start3A_308 = arith.constant 0 : i32
    %dma_start3A_309 = tpu.memref_slice %arg14[%dma_start3A_295, %dma_start3A_307, %dma_start3A_308] : memref<3x256x128xi32, #tpu.memory_space<vmem>> -> memref<1x256x128xi32, #tpu.memory_space<vmem>>
    %dma_start3A_310 = tpu.memref_squeeze %dma_start3A_309 : memref<1x256x128xi32, #tpu.memory_space<vmem>> -> memref<256x128xi32, #tpu.memory_space<vmem>>
    tpu.enqueue_dma source(%dma_start3A_310 : memref<256x128xi32, #tpu.memory_space<vmem>>) target(%dma_start3A_306 : memref<256x128xi32, #tpu.memory_space<hbm>>) target_semaphore(%dma_start3A_304 : memref<!tpu.dma_semaphore, #tpu.memory_space<semaphore_mem>>)
    %dma_wait3A_311 = arith.constant 1 : i32
    %dma_wait3A_312 = arith.constant 1 : i32
    %dma_wait3A_313 = arith.constant 0 : i32
    %dma_wait3A_314 = arith.constant 0 : i32
    %dma_wait3A_315 = tpu.memref_slice %arg14[%dma_wait3A_311, %dma_wait3A_313, %dma_wait3A_314] : memref<3x256x128xi32, #tpu.memory_space<vmem>> -> memref<1x256x128xi32, #tpu.memory_space<vmem>>
    %dma_wait3A_316 = tpu.memref_squeeze %dma_wait3A_315 : memref<1x256x128xi32, #tpu.memory_space<vmem>> -> memref<256x128xi32, #tpu.memory_space<vmem>>
    %dma_wait3A_317 = arith.constant 0 : i32
    %dma_wait3A_318 = tpu.memref_slice %arg10[%add3A_294, %dma_wait3A_317] : memref<16384x128xi32, #tpu.memory_space<hbm>> -> memref<256x128xi32, #tpu.memory_space<hbm>>
    %dma_wait3A_319 = tpu.memref_slice %arg16[%dma_wait3A_312] : memref<3x!tpu.dma_semaphore, #tpu.memory_space<semaphore_mem>> -> memref<1x!tpu.dma_semaphore, #tpu.memory_space<semaphore_mem>>
    %dma_wait3A_320 = tpu.memref_squeeze %dma_wait3A_319 : memref<1x!tpu.dma_semaphore, #tpu.memory_space<semaphore_mem>> -> memref<!tpu.dma_semaphore, #tpu.memory_space<semaphore_mem>>
    %dma_wait3A_321 = arith.constant 0 : i32
    %dma_wait3A_322 = tpu.memref_slice %arg10[%add3A_294, %dma_wait3A_321] : memref<16384x128xi32, #tpu.memory_space<hbm>> -> memref<256x128xi32, #tpu.memory_space<hbm>>
    %dma_wait3A_323 = arith.constant 0 : i32
    %dma_wait3A_324 = arith.constant 0 : i32
    %dma_wait3A_325 = tpu.memref_slice %arg14[%dma_wait3A_311, %dma_wait3A_323, %dma_wait3A_324] : memref<3x256x128xi32, #tpu.memory_space<vmem>> -> memref<1x256x128xi32, #tpu.memory_space<vmem>>
    %dma_wait3A_326 = tpu.memref_squeeze %dma_wait3A_325 : memref<1x256x128xi32, #tpu.memory_space<vmem>> -> memref<256x128xi32, #tpu.memory_space<vmem>>
    tpu.wait_dma2 semaphore(%dma_wait3A_320 : memref<!tpu.dma_semaphore, #tpu.memory_space<semaphore_mem>>) src(%dma_wait3A_326 : memref<256x128xi32, #tpu.memory_space<vmem>>) dst(%dma_wait3A_322 : memref<256x128xi32, #tpu.memory_space<hbm>>)
    %dma_start3A_327 = arith.constant 1 : i32
    %dma_start3A_328 = arith.constant 1 : i32
    %dma_start3A_329 = arith.constant 0 : i32
    %dma_start3A_330 = arith.constant 0 : i32
    %dma_start3A_331 = tpu.memref_slice %arg14[%dma_start3A_327, %dma_start3A_329, %dma_start3A_330] : memref<3x256x128xi32, #tpu.memory_space<vmem>> -> memref<1x256x128xi32, #tpu.memory_space<vmem>>
    %dma_start3A_332 = tpu.memref_squeeze %dma_start3A_331 : memref<1x256x128xi32, #tpu.memory_space<vmem>> -> memref<256x128xi32, #tpu.memory_space<vmem>>
    %dma_start3A_333 = arith.constant 256 : i32
    %dma_start3A_334 = tpu.memref_slice %arg13[%dma_start3A_333] : memref<512xi32, #tpu.memory_space<vmem>> -> memref<256xi32, #tpu.memory_space<vmem>>
    %dma_start3A_335 = arith.constant 0 : i32
    %dma_start3A_336 = arith.constant 0 : i32
    %dma_start3A_337 = tpu.memref_slice %arg7[%dma_start3A_335, %dma_start3A_336] : memref<253952x128xi32, #tpu.memory_space<hbm>> -> memref<253952x128xi32, #tpu.memory_space<hbm>>
    %dma_start3A_338 = tpu.memref_slice %arg15[%dma_start3A_328] : memref<3x!tpu.dma_semaphore, #tpu.memory_space<semaphore_mem>> -> memref<1x!tpu.dma_semaphore, #tpu.memory_space<semaphore_mem>>
    %dma_start3A_339 = tpu.memref_squeeze %dma_start3A_338 : memref<1x!tpu.dma_semaphore, #tpu.memory_space<semaphore_mem>> -> memref<!tpu.dma_semaphore, #tpu.memory_space<semaphore_mem>>
    tpu.enqueue_indirect_dma source(%dma_start3A_337 : memref<253952x128xi32, #tpu.memory_space<hbm>>) target(%dma_start3A_332 : memref<256x128xi32, #tpu.memory_space<vmem>>) offsets(%dma_start3A_334 : memref<256xi32, #tpu.memory_space<vmem>>) semaphore(%dma_start3A_339 : memref<!tpu.dma_semaphore, #tpu.memory_space<semaphore_mem>>)
    %dma_wait3A_340 = arith.constant 2 : i32
    %dma_wait3A_341 = arith.constant 2 : i32
    %dma_wait3A_342 = arith.constant 0 : i32
    %dma_wait3A_343 = arith.constant 0 : i32
    %dma_wait3A_344 = tpu.memref_slice %arg14[%dma_wait3A_340, %dma_wait3A_342, %dma_wait3A_343] : memref<3x256x128xi32, #tpu.memory_space<vmem>> -> memref<1x256x128xi32, #tpu.memory_space<vmem>>
    %dma_wait3A_345 = tpu.memref_squeeze %dma_wait3A_344 : memref<1x256x128xi32, #tpu.memory_space<vmem>> -> memref<256x128xi32, #tpu.memory_space<vmem>>
    %dma_wait3A_346 = arith.constant 256 : i32
    %dma_wait3A_347 = tpu.memref_slice %arg12[%dma_wait3A_346] : memref<512xi32, #tpu.memory_space<vmem>> -> memref<256xi32, #tpu.memory_space<vmem>>
    %dma_wait3A_348 = arith.constant 0 : i32
    %dma_wait3A_349 = arith.constant 0 : i32
    %dma_wait3A_350 = tpu.memref_slice %arg6[%dma_wait3A_348, %dma_wait3A_349] : memref<253952x128xi32, #tpu.memory_space<hbm>> -> memref<253952x128xi32, #tpu.memory_space<hbm>>
    %dma_wait3A_351 = tpu.memref_slice %arg15[%dma_wait3A_341] : memref<3x!tpu.dma_semaphore, #tpu.memory_space<semaphore_mem>> -> memref<1x!tpu.dma_semaphore, #tpu.memory_space<semaphore_mem>>
    %dma_wait3A_352 = tpu.memref_squeeze %dma_wait3A_351 : memref<1x!tpu.dma_semaphore, #tpu.memory_space<semaphore_mem>> -> memref<!tpu.dma_semaphore, #tpu.memory_space<semaphore_mem>>
    tpu.wait_indirect_dma semaphore(%dma_wait3A_352 : memref<!tpu.dma_semaphore, #tpu.memory_space<semaphore_mem>>) src(%dma_wait3A_350 : memref<253952x128xi32, #tpu.memory_space<hbm>>) dst(%dma_wait3A_345 : memref<256x128xi32, #tpu.memory_space<vmem>>)
    %add3A_353 = arith.constant 256 : i32
    %add3A_354 = arith.addi %mul3A_2, %add3A_353 : i32
    %dma_start3A_355 = arith.constant 2 : i32
    %dma_start3A_356 = arith.constant 2 : i32
    %dma_start3A_357 = arith.constant 0 : i32
    %dma_start3A_358 = arith.constant 0 : i32
    %dma_start3A_359 = tpu.memref_slice %arg14[%dma_start3A_355, %dma_start3A_357, %dma_start3A_358] : memref<3x256x128xi32, #tpu.memory_space<vmem>> -> memref<1x256x128xi32, #tpu.memory_space<vmem>>
    %dma_start3A_360 = tpu.memref_squeeze %dma_start3A_359 : memref<1x256x128xi32, #tpu.memory_space<vmem>> -> memref<256x128xi32, #tpu.memory_space<vmem>>
    %dma_start3A_361 = arith.constant 0 : i32
    %dma_start3A_362 = tpu.memref_slice %arg10[%add3A_354, %dma_start3A_361] : memref<16384x128xi32, #tpu.memory_space<hbm>> -> memref<256x128xi32, #tpu.memory_space<hbm>>
    %dma_start3A_363 = tpu.memref_slice %arg16[%dma_start3A_356] : memref<3x!tpu.dma_semaphore, #tpu.memory_space<semaphore_mem>> -> memref<1x!tpu.dma_semaphore, #tpu.memory_space<semaphore_mem>>
    %dma_start3A_364 = tpu.memref_squeeze %dma_start3A_363 : memref<1x!tpu.dma_semaphore, #tpu.memory_space<semaphore_mem>> -> memref<!tpu.dma_semaphore, #tpu.memory_space<semaphore_mem>>
    %dma_start3A_365 = arith.constant 0 : i32
    %dma_start3A_366 = tpu.memref_slice %arg10[%add3A_354, %dma_start3A_365] : memref<16384x128xi32, #tpu.memory_space<hbm>> -> memref<256x128xi32, #tpu.memory_space<hbm>>
    %dma_start3A_367 = arith.constant 0 : i32
    %dma_start3A_368 = arith.constant 0 : i32
    %dma_start3A_369 = tpu.memref_slice %arg14[%dma_start3A_355, %dma_start3A_367, %dma_start3A_368] : memref<3x256x128xi32, #tpu.memory_space<vmem>> -> memref<1x256x128xi32, #tpu.memory_space<vmem>>
    %dma_start3A_370 = tpu.memref_squeeze %dma_start3A_369 : memref<1x256x128xi32, #tpu.memory_space<vmem>> -> memref<256x128xi32, #tpu.memory_space<vmem>>
    tpu.enqueue_dma source(%dma_start3A_370 : memref<256x128xi32, #tpu.memory_space<vmem>>) target(%dma_start3A_366 : memref<256x128xi32, #tpu.memory_space<hbm>>) target_semaphore(%dma_start3A_364 : memref<!tpu.dma_semaphore, #tpu.memory_space<semaphore_mem>>)
    %dma_wait3A_371 = arith.constant 0 : i32
    %dma_wait3A_372 = arith.constant 0 : i32
    %dma_wait3A_373 = arith.constant 0 : i32
    %dma_wait3A_374 = arith.constant 0 : i32
    %dma_wait3A_375 = tpu.memref_slice %arg14[%dma_wait3A_371, %dma_wait3A_373, %dma_wait3A_374] : memref<3x256x128xi32, #tpu.memory_space<vmem>> -> memref<1x256x128xi32, #tpu.memory_space<vmem>>
    %dma_wait3A_376 = tpu.memref_squeeze %dma_wait3A_375 : memref<1x256x128xi32, #tpu.memory_space<vmem>> -> memref<256x128xi32, #tpu.memory_space<vmem>>
    %dma_wait3A_377 = arith.constant 0 : i32
    %dma_wait3A_378 = tpu.memref_slice %arg13[%dma_wait3A_377] : memref<512xi32, #tpu.memory_space<vmem>> -> memref<256xi32, #tpu.memory_space<vmem>>
    %dma_wait3A_379 = arith.constant 0 : i32
    %dma_wait3A_380 = arith.constant 0 : i32
    %dma_wait3A_381 = tpu.memref_slice %arg7[%dma_wait3A_379, %dma_wait3A_380] : memref<253952x128xi32, #tpu.memory_space<hbm>> -> memref<253952x128xi32, #tpu.memory_space<hbm>>
    %dma_wait3A_382 = tpu.memref_slice %arg15[%dma_wait3A_372] : memref<3x!tpu.dma_semaphore, #tpu.memory_space<semaphore_mem>> -> memref<1x!tpu.dma_semaphore, #tpu.memory_space<semaphore_mem>>
    %dma_wait3A_383 = tpu.memref_squeeze %dma_wait3A_382 : memref<1x!tpu.dma_semaphore, #tpu.memory_space<semaphore_mem>> -> memref<!tpu.dma_semaphore, #tpu.memory_space<semaphore_mem>>
    tpu.wait_indirect_dma semaphore(%dma_wait3A_383 : memref<!tpu.dma_semaphore, #tpu.memory_space<semaphore_mem>>) src(%dma_wait3A_381 : memref<253952x128xi32, #tpu.memory_space<hbm>>) dst(%dma_wait3A_376 : memref<256x128xi32, #tpu.memory_space<vmem>>)
    %add3A_384 = arith.constant 0 : i32
    %add3A_385 = arith.addi %mul3A_2, %add3A_384 : i32
    %dma_start3A_386 = arith.constant 0 : i32
    %dma_start3A_387 = arith.constant 0 : i32
    %dma_start3A_388 = arith.constant 0 : i32
    %dma_start3A_389 = arith.constant 0 : i32
    %dma_start3A_390 = tpu.memref_slice %arg14[%dma_start3A_386, %dma_start3A_388, %dma_start3A_389] : memref<3x256x128xi32, #tpu.memory_space<vmem>> -> memref<1x256x128xi32, #tpu.memory_space<vmem>>
    %dma_start3A_391 = tpu.memref_squeeze %dma_start3A_390 : memref<1x256x128xi32, #tpu.memory_space<vmem>> -> memref<256x128xi32, #tpu.memory_space<vmem>>
    %dma_start3A_392 = arith.constant 0 : i32
    %dma_start3A_393 = tpu.memref_slice %arg11[%add3A_385, %dma_start3A_392] : memref<16384x128xi32, #tpu.memory_space<hbm>> -> memref<256x128xi32, #tpu.memory_space<hbm>>
    %dma_start3A_394 = tpu.memref_slice %arg16[%dma_start3A_387] : memref<3x!tpu.dma_semaphore, #tpu.memory_space<semaphore_mem>> -> memref<1x!tpu.dma_semaphore, #tpu.memory_space<semaphore_mem>>
    %dma_start3A_395 = tpu.memref_squeeze %dma_start3A_394 : memref<1x!tpu.dma_semaphore, #tpu.memory_space<semaphore_mem>> -> memref<!tpu.dma_semaphore, #tpu.memory_space<semaphore_mem>>
    %dma_start3A_396 = arith.constant 0 : i32
    %dma_start3A_397 = tpu.memref_slice %arg11[%add3A_385, %dma_start3A_396] : memref<16384x128xi32, #tpu.memory_space<hbm>> -> memref<256x128xi32, #tpu.memory_space<hbm>>
    %dma_start3A_398 = arith.constant 0 : i32
    %dma_start3A_399 = arith.constant 0 : i32
    %dma_start3A_400 = tpu.memref_slice %arg14[%dma_start3A_386, %dma_start3A_398, %dma_start3A_399] : memref<3x256x128xi32, #tpu.memory_space<vmem>> -> memref<1x256x128xi32, #tpu.memory_space<vmem>>
    %dma_start3A_401 = tpu.memref_squeeze %dma_start3A_400 : memref<1x256x128xi32, #tpu.memory_space<vmem>> -> memref<256x128xi32, #tpu.memory_space<vmem>>
    tpu.enqueue_dma source(%dma_start3A_401 : memref<256x128xi32, #tpu.memory_space<vmem>>) target(%dma_start3A_397 : memref<256x128xi32, #tpu.memory_space<hbm>>) target_semaphore(%dma_start3A_395 : memref<!tpu.dma_semaphore, #tpu.memory_space<semaphore_mem>>)
    %dma_wait3A_402 = arith.constant 1 : i32
    %dma_wait3A_403 = arith.constant 1 : i32
    %dma_wait3A_404 = arith.constant 0 : i32
    %dma_wait3A_405 = arith.constant 0 : i32
    %dma_wait3A_406 = tpu.memref_slice %arg14[%dma_wait3A_402, %dma_wait3A_404, %dma_wait3A_405] : memref<3x256x128xi32, #tpu.memory_space<vmem>> -> memref<1x256x128xi32, #tpu.memory_space<vmem>>
    %dma_wait3A_407 = tpu.memref_squeeze %dma_wait3A_406 : memref<1x256x128xi32, #tpu.memory_space<vmem>> -> memref<256x128xi32, #tpu.memory_space<vmem>>
    %dma_wait3A_408 = arith.constant 256 : i32
    %dma_wait3A_409 = tpu.memref_slice %arg13[%dma_wait3A_408] : memref<512xi32, #tpu.memory_space<vmem>> -> memref<256xi32, #tpu.memory_space<vmem>>
    %dma_wait3A_410 = arith.constant 0 : i32
    %dma_wait3A_411 = arith.constant 0 : i32
    %dma_wait3A_412 = tpu.memref_slice %arg7[%dma_wait3A_410, %dma_wait3A_411] : memref<253952x128xi32, #tpu.memory_space<hbm>> -> memref<253952x128xi32, #tpu.memory_space<hbm>>
    %dma_wait3A_413 = tpu.memref_slice %arg15[%dma_wait3A_403] : memref<3x!tpu.dma_semaphore, #tpu.memory_space<semaphore_mem>> -> memref<1x!tpu.dma_semaphore, #tpu.memory_space<semaphore_mem>>
    %dma_wait3A_414 = tpu.memref_squeeze %dma_wait3A_413 : memref<1x!tpu.dma_semaphore, #tpu.memory_space<semaphore_mem>> -> memref<!tpu.dma_semaphore, #tpu.memory_space<semaphore_mem>>
    tpu.wait_indirect_dma semaphore(%dma_wait3A_414 : memref<!tpu.dma_semaphore, #tpu.memory_space<semaphore_mem>>) src(%dma_wait3A_412 : memref<253952x128xi32, #tpu.memory_space<hbm>>) dst(%dma_wait3A_407 : memref<256x128xi32, #tpu.memory_space<vmem>>)
    %add3A_415 = arith.constant 256 : i32
    %add3A_416 = arith.addi %mul3A_2, %add3A_415 : i32
    %dma_start3A_417 = arith.constant 1 : i32
    %dma_start3A_418 = arith.constant 1 : i32
    %dma_start3A_419 = arith.constant 0 : i32
    %dma_start3A_420 = arith.constant 0 : i32
    %dma_start3A_421 = tpu.memref_slice %arg14[%dma_start3A_417, %dma_start3A_419, %dma_start3A_420] : memref<3x256x128xi32, #tpu.memory_space<vmem>> -> memref<1x256x128xi32, #tpu.memory_space<vmem>>
    %dma_start3A_422 = tpu.memref_squeeze %dma_start3A_421 : memref<1x256x128xi32, #tpu.memory_space<vmem>> -> memref<256x128xi32, #tpu.memory_space<vmem>>
    %dma_start3A_423 = arith.constant 0 : i32
    %dma_start3A_424 = tpu.memref_slice %arg11[%add3A_416, %dma_start3A_423] : memref<16384x128xi32, #tpu.memory_space<hbm>> -> memref<256x128xi32, #tpu.memory_space<hbm>>
    %dma_start3A_425 = tpu.memref_slice %arg16[%dma_start3A_418] : memref<3x!tpu.dma_semaphore, #tpu.memory_space<semaphore_mem>> -> memref<1x!tpu.dma_semaphore, #tpu.memory_space<semaphore_mem>>
    %dma_start3A_426 = tpu.memref_squeeze %dma_start3A_425 : memref<1x!tpu.dma_semaphore, #tpu.memory_space<semaphore_mem>> -> memref<!tpu.dma_semaphore, #tpu.memory_space<semaphore_mem>>
    %dma_start3A_427 = arith.constant 0 : i32
    %dma_start3A_428 = tpu.memref_slice %arg11[%add3A_416, %dma_start3A_427] : memref<16384x128xi32, #tpu.memory_space<hbm>> -> memref<256x128xi32, #tpu.memory_space<hbm>>
    %dma_start3A_429 = arith.constant 0 : i32
    %dma_start3A_430 = arith.constant 0 : i32
    %dma_start3A_431 = tpu.memref_slice %arg14[%dma_start3A_417, %dma_start3A_429, %dma_start3A_430] : memref<3x256x128xi32, #tpu.memory_space<vmem>> -> memref<1x256x128xi32, #tpu.memory_space<vmem>>
    %dma_start3A_432 = tpu.memref_squeeze %dma_start3A_431 : memref<1x256x128xi32, #tpu.memory_space<vmem>> -> memref<256x128xi32, #tpu.memory_space<vmem>>
    tpu.enqueue_dma source(%dma_start3A_432 : memref<256x128xi32, #tpu.memory_space<vmem>>) target(%dma_start3A_428 : memref<256x128xi32, #tpu.memory_space<hbm>>) target_semaphore(%dma_start3A_426 : memref<!tpu.dma_semaphore, #tpu.memory_space<semaphore_mem>>)
    %dma_wait3A_433 = arith.constant 2 : i32
    %dma_wait3A_434 = arith.constant 2 : i32
    %dma_wait3A_435 = arith.constant 0 : i32
    %dma_wait3A_436 = arith.constant 0 : i32
    %dma_wait3A_437 = tpu.memref_slice %arg14[%dma_wait3A_433, %dma_wait3A_435, %dma_wait3A_436] : memref<3x256x128xi32, #tpu.memory_space<vmem>> -> memref<1x256x128xi32, #tpu.memory_space<vmem>>
    %dma_wait3A_438 = tpu.memref_squeeze %dma_wait3A_437 : memref<1x256x128xi32, #tpu.memory_space<vmem>> -> memref<256x128xi32, #tpu.memory_space<vmem>>
    %dma_wait3A_439 = arith.constant 0 : i32
    %dma_wait3A_440 = tpu.memref_slice %arg10[%add3A_354, %dma_wait3A_439] : memref<16384x128xi32, #tpu.memory_space<hbm>> -> memref<256x128xi32, #tpu.memory_space<hbm>>
    %dma_wait3A_441 = tpu.memref_slice %arg16[%dma_wait3A_434] : memref<3x!tpu.dma_semaphore, #tpu.memory_space<semaphore_mem>> -> memref<1x!tpu.dma_semaphore, #tpu.memory_space<semaphore_mem>>
    %dma_wait3A_442 = tpu.memref_squeeze %dma_wait3A_441 : memref<1x!tpu.dma_semaphore, #tpu.memory_space<semaphore_mem>> -> memref<!tpu.dma_semaphore, #tpu.memory_space<semaphore_mem>>
    %dma_wait3A_443 = arith.constant 0 : i32
    %dma_wait3A_444 = tpu.memref_slice %arg10[%add3A_354, %dma_wait3A_443] : memref<16384x128xi32, #tpu.memory_space<hbm>> -> memref<256x128xi32, #tpu.memory_space<hbm>>
    %dma_wait3A_445 = arith.constant 0 : i32
    %dma_wait3A_446 = arith.constant 0 : i32
    %dma_wait3A_447 = tpu.memref_slice %arg14[%dma_wait3A_433, %dma_wait3A_445, %dma_wait3A_446] : memref<3x256x128xi32, #tpu.memory_space<vmem>> -> memref<1x256x128xi32, #tpu.memory_space<vmem>>
    %dma_wait3A_448 = tpu.memref_squeeze %dma_wait3A_447 : memref<1x256x128xi32, #tpu.memory_space<vmem>> -> memref<256x128xi32, #tpu.memory_space<vmem>>
    tpu.wait_dma2 semaphore(%dma_wait3A_442 : memref<!tpu.dma_semaphore, #tpu.memory_space<semaphore_mem>>) src(%dma_wait3A_448 : memref<256x128xi32, #tpu.memory_space<vmem>>) dst(%dma_wait3A_444 : memref<256x128xi32, #tpu.memory_space<hbm>>)
    %dma_wait3A_449 = arith.constant 0 : i32
    %dma_wait3A_450 = arith.constant 0 : i32
    %dma_wait3A_451 = arith.constant 0 : i32
    %dma_wait3A_452 = arith.constant 0 : i32
    %dma_wait3A_453 = tpu.memref_slice %arg14[%dma_wait3A_449, %dma_wait3A_451, %dma_wait3A_452] : memref<3x256x128xi32, #tpu.memory_space<vmem>> -> memref<1x256x128xi32, #tpu.memory_space<vmem>>
    %dma_wait3A_454 = tpu.memref_squeeze %dma_wait3A_453 : memref<1x256x128xi32, #tpu.memory_space<vmem>> -> memref<256x128xi32, #tpu.memory_space<vmem>>
    %dma_wait3A_455 = arith.constant 0 : i32
    %dma_wait3A_456 = tpu.memref_slice %arg11[%add3A_385, %dma_wait3A_455] : memref<16384x128xi32, #tpu.memory_space<hbm>> -> memref<256x128xi32, #tpu.memory_space<hbm>>
    %dma_wait3A_457 = tpu.memref_slice %arg16[%dma_wait3A_450] : memref<3x!tpu.dma_semaphore, #tpu.memory_space<semaphore_mem>> -> memref<1x!tpu.dma_semaphore, #tpu.memory_space<semaphore_mem>>
    %dma_wait3A_458 = tpu.memref_squeeze %dma_wait3A_457 : memref<1x!tpu.dma_semaphore, #tpu.memory_space<semaphore_mem>> -> memref<!tpu.dma_semaphore, #tpu.memory_space<semaphore_mem>>
    %dma_wait3A_459 = arith.constant 0 : i32
    %dma_wait3A_460 = tpu.memref_slice %arg11[%add3A_385, %dma_wait3A_459] : memref<16384x128xi32, #tpu.memory_space<hbm>> -> memref<256x128xi32, #tpu.memory_space<hbm>>
    %dma_wait3A_461 = arith.constant 0 : i32
    %dma_wait3A_462 = arith.constant 0 : i32
    %dma_wait3A_463 = tpu.memref_slice %arg14[%dma_wait3A_449, %dma_wait3A_461, %dma_wait3A_462] : memref<3x256x128xi32, #tpu.memory_space<vmem>> -> memref<1x256x128xi32, #tpu.memory_space<vmem>>
    %dma_wait3A_464 = tpu.memref_squeeze %dma_wait3A_463 : memref<1x256x128xi32, #tpu.memory_space<vmem>> -> memref<256x128xi32, #tpu.memory_space<vmem>>
    tpu.wait_dma2 semaphore(%dma_wait3A_458 : memref<!tpu.dma_semaphore, #tpu.memory_space<semaphore_mem>>) src(%dma_wait3A_464 : memref<256x128xi32, #tpu.memory_space<vmem>>) dst(%dma_wait3A_460 : memref<256x128xi32, #tpu.memory_space<hbm>>)
    %dma_wait3A_465 = arith.constant 1 : i32
    %dma_wait3A_466 = arith.constant 1 : i32
    %dma_wait3A_467 = arith.constant 0 : i32
    %dma_wait3A_468 = arith.constant 0 : i32
    %dma_wait3A_469 = tpu.memref_slice %arg14[%dma_wait3A_465, %dma_wait3A_467, %dma_wait3A_468] : memref<3x256x128xi32, #tpu.memory_space<vmem>> -> memref<1x256x128xi32, #tpu.memory_space<vmem>>
    %dma_wait3A_470 = tpu.memref_squeeze %dma_wait3A_469 : memref<1x256x128xi32, #tpu.memory_space<vmem>> -> memref<256x128xi32, #tpu.memory_space<vmem>>
    %dma_wait3A_471 = arith.constant 0 : i32
    %dma_wait3A_472 = tpu.memref_slice %arg11[%add3A_416, %dma_wait3A_471] : memref<16384x128xi32, #tpu.memory_space<hbm>> -> memref<256x128xi32, #tpu.memory_space<hbm>>
    %dma_wait3A_473 = tpu.memref_slice %arg16[%dma_wait3A_466] : memref<3x!tpu.dma_semaphore, #tpu.memory_space<semaphore_mem>> -> memref<1x!tpu.dma_semaphore, #tpu.memory_space<semaphore_mem>>
    %dma_wait3A_474 = tpu.memref_squeeze %dma_wait3A_473 : memref<1x!tpu.dma_semaphore, #tpu.memory_space<semaphore_mem>> -> memref<!tpu.dma_semaphore, #tpu.memory_space<semaphore_mem>>
    %dma_wait3A_475 = arith.constant 0 : i32
    %dma_wait3A_476 = tpu.memref_slice %arg11[%add3A_416, %dma_wait3A_475] : memref<16384x128xi32, #tpu.memory_space<hbm>> -> memref<256x128xi32, #tpu.memory_space<hbm>>
    %dma_wait3A_477 = arith.constant 0 : i32
    %dma_wait3A_478 = arith.constant 0 : i32
    %dma_wait3A_479 = tpu.memref_slice %arg14[%dma_wait3A_465, %dma_wait3A_477, %dma_wait3A_478] : memref<3x256x128xi32, #tpu.memory_space<vmem>> -> memref<1x256x128xi32, #tpu.memory_space<vmem>>
    %dma_wait3A_480 = tpu.memref_squeeze %dma_wait3A_479 : memref<1x256x128xi32, #tpu.memory_space<vmem>> -> memref<256x128xi32, #tpu.memory_space<vmem>>
    tpu.wait_dma2 semaphore(%dma_wait3A_474 : memref<!tpu.dma_semaphore, #tpu.memory_space<semaphore_mem>>) src(%dma_wait3A_480 : memref<256x128xi32, #tpu.memory_space<vmem>>) dst(%dma_wait3A_476 : memref<256x128xi32, #tpu.memory_space<hbm>>)
    return
  }
}

module attributes {stable_mosaic.version = 14 : i64} {
  func.func @_tc_pack_body(%arg0: i32, %arg1: memref<64x16384xf32, #tpu.memory_space<vmem>>, %arg2: memref<64x16384xf32, #tpu.memory_space<vmem>>, %arg3: memref<64x16384xf32, #tpu.memory_space<vmem>>, %arg4: memref<64x16384xf32, #tpu.memory_space<vmem>>, %arg5: memref<64x64xbf16, #tpu.memory_space<vmem>>, %arg6: memref<4096x128xi32, #tpu.memory_space<vmem>>, %arg7: memref<4096x128xi32, #tpu.memory_space<vmem>>, %arg8: memref<4096x128xi32, #tpu.memory_space<vmem>>, %arg9: memref<4096x128xi32, #tpu.memory_space<vmem>>) attributes {dimension_semantics = [#tpu.dimension_semantics<arbitrary>], iteration_bounds = array<i64: 62>, scalar_prefetch = 0 : i64, scratch_operands = 0 : i64, tpu.core_type = #tpu.core_type<tc>, window_params = [{transform_indices = @transform_0, window_bounds = array<i64: 64, 16384>}, {transform_indices = @transform_1, window_bounds = array<i64: 64, 16384>}, {transform_indices = @transform_2, window_bounds = array<i64: 64, 16384>}, {transform_indices = @transform_3, window_bounds = array<i64: 64, 16384>}, {pipeline_mode = #tpu.pipeline_mode<synchronous>, transform_indices = @transform_4, window_bounds = array<i64: 64, 64>}, {transform_indices = @transform_5, window_bounds = array<i64: 4096, 128>}, {transform_indices = @transform_6, window_bounds = array<i64: 4096, 128>}, {transform_indices = @transform_7, window_bounds = array<i64: 4096, 128>}, {transform_indices = @transform_8, window_bounds = array<i64: 4096, 128>}]} {
    %get3A = arith.constant 0 : index
    %get3A_0 = arith.constant 0 : index
    %get3A_1 = vector.load %arg1[%get3A, %get3A_0] : memref<64x16384xf32, #tpu.memory_space<vmem>>, vector<64x16384xf32>
    %convert_element_type3A = arith.truncf %get3A_1 : vector<64x16384xf32> to vector<64x16384xbf16>
    %get3A_2 = arith.constant 0 : index
    %get3A_3 = arith.constant 0 : index
    %get3A_4 = vector.load %arg5[%get3A_2, %get3A_3] : memref<64x64xbf16, #tpu.memory_space<vmem>>, vector<64x64xbf16>
    %dot_general3A = arith.constant dense<0.000000e+00> : vector<16384x64xf32>
    %dot_general3A_5 = tpu.matmul %convert_element_type3A, %get3A_4, %dot_general3A {dimension_numbers = #tpu.dot_dimension_numbers<[0], [0], [1], [1], [0, 1, 1, 1], [], []>, transpose_lhs_hint = true} : vector<64x16384xbf16>, vector<64x64xbf16>, vector<16384x64xf32> -> vector<16384x64xf32>
    %bitcast_convert_type3A = tpu.bitcast %dot_general3A_5 : vector<16384x64xf32> -> vector<16384x64xi32>
    %slice3A = vector.extract_strided_slice %bitcast_convert_type3A {offsets = [0, 0], sizes = [4096, 64], strides = [1, 1]} : vector<16384x64xi32> to vector<4096x64xi32>
    %slice3A_6 = vector.extract_strided_slice %bitcast_convert_type3A {offsets = [4096, 0], sizes = [4096, 64], strides = [1, 1]} : vector<16384x64xi32> to vector<4096x64xi32>
    %slice3A_7 = vector.extract_strided_slice %bitcast_convert_type3A {offsets = [8192, 0], sizes = [4096, 64], strides = [1, 1]} : vector<16384x64xi32> to vector<4096x64xi32>
    %slice3A_8 = vector.extract_strided_slice %bitcast_convert_type3A {offsets = [12288, 0], sizes = [4096, 64], strides = [1, 1]} : vector<16384x64xi32> to vector<4096x64xi32>
    %shift_right_logical3A = arith.constant 16 : i32
    %shift_right_logical3A_9 = vector.broadcast %shift_right_logical3A : i32 to vector<4096x64xi32>
    %shift_right_logical3A_10 = arith.shrui %slice3A, %shift_right_logical3A_9 : vector<4096x64xi32>
    %and3A = arith.constant -65536 : i32
    %and3A_11 = vector.broadcast %and3A : i32 to vector<4096x64xi32>
    %and3A_12 = arith.andi %slice3A_6, %and3A_11 : vector<4096x64xi32>
    %or3A = arith.ori %shift_right_logical3A_10, %and3A_12 : vector<4096x64xi32>
    %shift_right_logical3A_13 = arith.constant 16 : i32
    %shift_right_logical3A_14 = vector.broadcast %shift_right_logical3A_13 : i32 to vector<4096x64xi32>
    %shift_right_logical3A_15 = arith.shrui %slice3A_7, %shift_right_logical3A_14 : vector<4096x64xi32>
    %and3A_16 = arith.constant -65536 : i32
    %and3A_17 = vector.broadcast %and3A_16 : i32 to vector<4096x64xi32>
    %and3A_18 = arith.andi %slice3A_8, %and3A_17 : vector<4096x64xi32>
    %or3A_19 = arith.ori %shift_right_logical3A_15, %and3A_18 : vector<4096x64xi32>
    %concatenate3A = tpu.concatenate %or3A, %or3A_19 in 1 : vector<4096x64xi32>, vector<4096x64xi32> -> vector<4096x128xi32>
    %swap3A = arith.constant 0 : index
    %swap3A_20 = arith.constant 0 : index
    %swap3A_21 = vector.load %arg6[%swap3A, %swap3A_20] : memref<4096x128xi32, #tpu.memory_space<vmem>>, vector<4096x128xi32>
    tpu.vector_store %arg6[%swap3A, %swap3A_20], %concatenate3A {strides = array<i32>} : memref<4096x128xi32, #tpu.memory_space<vmem>>, vector<4096x128xi32>,
    %get3A_22 = arith.constant 0 : index
    %get3A_23 = arith.constant 0 : index
    %get3A_24 = vector.load %arg2[%get3A_22, %get3A_23] : memref<64x16384xf32, #tpu.memory_space<vmem>>, vector<64x16384xf32>
    %convert_element_type3A_25 = arith.truncf %get3A_24 : vector<64x16384xf32> to vector<64x16384xbf16>
    %get3A_26 = arith.constant 0 : index
    %get3A_27 = arith.constant 0 : index
    %get3A_28 = vector.load %arg5[%get3A_26, %get3A_27] : memref<64x64xbf16, #tpu.memory_space<vmem>>, vector<64x64xbf16>
    %dot_general3A_29 = arith.constant dense<0.000000e+00> : vector<16384x64xf32>
    %dot_general3A_30 = tpu.matmul %convert_element_type3A_25, %get3A_28, %dot_general3A_29 {dimension_numbers = #tpu.dot_dimension_numbers<[0], [0], [1], [1], [0, 1, 1, 1], [], []>, transpose_lhs_hint = true} : vector<64x16384xbf16>, vector<64x64xbf16>, vector<16384x64xf32> -> vector<16384x64xf32>
    %bitcast_convert_type3A_31 = tpu.bitcast %dot_general3A_30 : vector<16384x64xf32> -> vector<16384x64xi32>
    %slice3A_32 = vector.extract_strided_slice %bitcast_convert_type3A_31 {offsets = [0, 0], sizes = [4096, 64], strides = [1, 1]} : vector<16384x64xi32> to vector<4096x64xi32>
    %slice3A_33 = vector.extract_strided_slice %bitcast_convert_type3A_31 {offsets = [4096, 0], sizes = [4096, 64], strides = [1, 1]} : vector<16384x64xi32> to vector<4096x64xi32>
    %slice3A_34 = vector.extract_strided_slice %bitcast_convert_type3A_31 {offsets = [8192, 0], sizes = [4096, 64], strides = [1, 1]} : vector<16384x64xi32> to vector<4096x64xi32>
    %slice3A_35 = vector.extract_strided_slice %bitcast_convert_type3A_31 {offsets = [12288, 0], sizes = [4096, 64], strides = [1, 1]} : vector<16384x64xi32> to vector<4096x64xi32>
    %shift_right_logical3A_36 = arith.constant 16 : i32
    %shift_right_logical3A_37 = vector.broadcast %shift_right_logical3A_36 : i32 to vector<4096x64xi32>
    %shift_right_logical3A_38 = arith.shrui %slice3A_32, %shift_right_logical3A_37 : vector<4096x64xi32>
    %and3A_39 = arith.constant -65536 : i32
    %and3A_40 = vector.broadcast %and3A_39 : i32 to vector<4096x64xi32>
    %and3A_41 = arith.andi %slice3A_33, %and3A_40 : vector<4096x64xi32>
    %or3A_42 = arith.ori %shift_right_logical3A_38, %and3A_41 : vector<4096x64xi32>
    %shift_right_logical3A_43 = arith.constant 16 : i32
    %shift_right_logical3A_44 = vector.broadcast %shift_right_logical3A_43 : i32 to vector<4096x64xi32>
    %shift_right_logical3A_45 = arith.shrui %slice3A_34, %shift_right_logical3A_44 : vector<4096x64xi32>
    %and3A_46 = arith.constant -65536 : i32
    %and3A_47 = vector.broadcast %and3A_46 : i32 to vector<4096x64xi32>
    %and3A_48 = arith.andi %slice3A_35, %and3A_47 : vector<4096x64xi32>
    %or3A_49 = arith.ori %shift_right_logical3A_45, %and3A_48 : vector<4096x64xi32>
    %concatenate3A_50 = tpu.concatenate %or3A_42, %or3A_49 in 1 : vector<4096x64xi32>, vector<4096x64xi32> -> vector<4096x128xi32>
    %swap3A_51 = arith.constant 0 : index
    %swap3A_52 = arith.constant 0 : index
    %swap3A_53 = vector.load %arg7[%swap3A_51, %swap3A_52] : memref<4096x128xi32, #tpu.memory_space<vmem>>, vector<4096x128xi32>
    tpu.vector_store %arg7[%swap3A_51, %swap3A_52], %concatenate3A_50 {strides = array<i32>} : memref<4096x128xi32, #tpu.memory_space<vmem>>, vector<4096x128xi32>,
    %get3A_54 = arith.constant 0 : index
    %get3A_55 = arith.constant 0 : index
    %get3A_56 = vector.load %arg3[%get3A_54, %get3A_55] : memref<64x16384xf32, #tpu.memory_space<vmem>>, vector<64x16384xf32>
    %convert_element_type3A_57 = arith.truncf %get3A_56 : vector<64x16384xf32> to vector<64x16384xbf16>
    %get3A_58 = arith.constant 0 : index
    %get3A_59 = arith.constant 0 : index
    %get3A_60 = vector.load %arg5[%get3A_58, %get3A_59] : memref<64x64xbf16, #tpu.memory_space<vmem>>, vector<64x64xbf16>
    %dot_general3A_61 = arith.constant dense<0.000000e+00> : vector<16384x64xf32>
    %dot_general3A_62 = tpu.matmul %convert_element_type3A_57, %get3A_60, %dot_general3A_61 {dimension_numbers = #tpu.dot_dimension_numbers<[0], [0], [1], [1], [0, 1, 1, 1], [], []>, transpose_lhs_hint = true} : vector<64x16384xbf16>, vector<64x64xbf16>, vector<16384x64xf32> -> vector<16384x64xf32>
    %bitcast_convert_type3A_63 = tpu.bitcast %dot_general3A_62 : vector<16384x64xf32> -> vector<16384x64xi32>
    %slice3A_64 = vector.extract_strided_slice %bitcast_convert_type3A_63 {offsets = [0, 0], sizes = [4096, 64], strides = [1, 1]} : vector<16384x64xi32> to vector<4096x64xi32>
    %slice3A_65 = vector.extract_strided_slice %bitcast_convert_type3A_63 {offsets = [4096, 0], sizes = [4096, 64], strides = [1, 1]} : vector<16384x64xi32> to vector<4096x64xi32>
    %slice3A_66 = vector.extract_strided_slice %bitcast_convert_type3A_63 {offsets = [8192, 0], sizes = [4096, 64], strides = [1, 1]} : vector<16384x64xi32> to vector<4096x64xi32>
    %slice3A_67 = vector.extract_strided_slice %bitcast_convert_type3A_63 {offsets = [12288, 0], sizes = [4096, 64], strides = [1, 1]} : vector<16384x64xi32> to vector<4096x64xi32>
    %shift_right_logical3A_68 = arith.constant 16 : i32
    %shift_right_logical3A_69 = vector.broadcast %shift_right_logical3A_68 : i32 to vector<4096x64xi32>
    %shift_right_logical3A_70 = arith.shrui %slice3A_64, %shift_right_logical3A_69 : vector<4096x64xi32>
    %and3A_71 = arith.constant -65536 : i32
    %and3A_72 = vector.broadcast %and3A_71 : i32 to vector<4096x64xi32>
    %and3A_73 = arith.andi %slice3A_65, %and3A_72 : vector<4096x64xi32>
    %or3A_74 = arith.ori %shift_right_logical3A_70, %and3A_73 : vector<4096x64xi32>
    %shift_right_logical3A_75 = arith.constant 16 : i32
    %shift_right_logical3A_76 = vector.broadcast %shift_right_logical3A_75 : i32 to vector<4096x64xi32>
    %shift_right_logical3A_77 = arith.shrui %slice3A_66, %shift_right_logical3A_76 : vector<4096x64xi32>
    %and3A_78 = arith.constant -65536 : i32
    %and3A_79 = vector.broadcast %and3A_78 : i32 to vector<4096x64xi32>
    %and3A_80 = arith.andi %slice3A_67, %and3A_79 : vector<4096x64xi32>
    %or3A_81 = arith.ori %shift_right_logical3A_77, %and3A_80 : vector<4096x64xi32>
    %concatenate3A_82 = tpu.concatenate %or3A_74, %or3A_81 in 1 : vector<4096x64xi32>, vector<4096x64xi32> -> vector<4096x128xi32>
    %swap3A_83 = arith.constant 0 : index
    %swap3A_84 = arith.constant 0 : index
    %swap3A_85 = vector.load %arg8[%swap3A_83, %swap3A_84] : memref<4096x128xi32, #tpu.memory_space<vmem>>, vector<4096x128xi32>
    tpu.vector_store %arg8[%swap3A_83, %swap3A_84], %concatenate3A_82 {strides = array<i32>} : memref<4096x128xi32, #tpu.memory_space<vmem>>, vector<4096x128xi32>,
    %get3A_86 = arith.constant 0 : index
    %get3A_87 = arith.constant 0 : index
    %get3A_88 = vector.load %arg4[%get3A_86, %get3A_87] : memref<64x16384xf32, #tpu.memory_space<vmem>>, vector<64x16384xf32>
    %convert_element_type3A_89 = arith.truncf %get3A_88 : vector<64x16384xf32> to vector<64x16384xbf16>
    %get3A_90 = arith.constant 0 : index
    %get3A_91 = arith.constant 0 : index
    %get3A_92 = vector.load %arg5[%get3A_90, %get3A_91] : memref<64x64xbf16, #tpu.memory_space<vmem>>, vector<64x64xbf16>
    %dot_general3A_93 = arith.constant dense<0.000000e+00> : vector<16384x64xf32>
    %dot_general3A_94 = tpu.matmul %convert_element_type3A_89, %get3A_92, %dot_general3A_93 {dimension_numbers = #tpu.dot_dimension_numbers<[0], [0], [1], [1], [0, 1, 1, 1], [], []>, transpose_lhs_hint = true} : vector<64x16384xbf16>, vector<64x64xbf16>, vector<16384x64xf32> -> vector<16384x64xf32>
    %bitcast_convert_type3A_95 = tpu.bitcast %dot_general3A_94 : vector<16384x64xf32> -> vector<16384x64xi32>
    %slice3A_96 = vector.extract_strided_slice %bitcast_convert_type3A_95 {offsets = [0, 0], sizes = [4096, 64], strides = [1, 1]} : vector<16384x64xi32> to vector<4096x64xi32>
    %slice3A_97 = vector.extract_strided_slice %bitcast_convert_type3A_95 {offsets = [4096, 0], sizes = [4096, 64], strides = [1, 1]} : vector<16384x64xi32> to vector<4096x64xi32>
    %slice3A_98 = vector.extract_strided_slice %bitcast_convert_type3A_95 {offsets = [8192, 0], sizes = [4096, 64], strides = [1, 1]} : vector<16384x64xi32> to vector<4096x64xi32>
    %slice3A_99 = vector.extract_strided_slice %bitcast_convert_type3A_95 {offsets = [12288, 0], sizes = [4096, 64], strides = [1, 1]} : vector<16384x64xi32> to vector<4096x64xi32>
    %shift_right_logical3A_100 = arith.constant 16 : i32
    %shift_right_logical3A_101 = vector.broadcast %shift_right_logical3A_100 : i32 to vector<4096x64xi32>
    %shift_right_logical3A_102 = arith.shrui %slice3A_96, %shift_right_logical3A_101 : vector<4096x64xi32>
    %and3A_103 = arith.constant -65536 : i32
    %and3A_104 = vector.broadcast %and3A_103 : i32 to vector<4096x64xi32>
    %and3A_105 = arith.andi %slice3A_97, %and3A_104 : vector<4096x64xi32>
    %or3A_106 = arith.ori %shift_right_logical3A_102, %and3A_105 : vector<4096x64xi32>
    %shift_right_logical3A_107 = arith.constant 16 : i32
    %shift_right_logical3A_108 = vector.broadcast %shift_right_logical3A_107 : i32 to vector<4096x64xi32>
    %shift_right_logical3A_109 = arith.shrui %slice3A_98, %shift_right_logical3A_108 : vector<4096x64xi32>
    %and3A_110 = arith.constant -65536 : i32
    %and3A_111 = vector.broadcast %and3A_110 : i32 to vector<4096x64xi32>
    %and3A_112 = arith.andi %slice3A_99, %and3A_111 : vector<4096x64xi32>
    %or3A_113 = arith.ori %shift_right_logical3A_109, %and3A_112 : vector<4096x64xi32>
    %concatenate3A_114 = tpu.concatenate %or3A_106, %or3A_113 in 1 : vector<4096x64xi32>, vector<4096x64xi32> -> vector<4096x128xi32>
    %swap3A_115 = arith.constant 0 : index
    %swap3A_116 = arith.constant 0 : index
    %swap3A_117 = vector.load %arg9[%swap3A_115, %swap3A_116] : memref<4096x128xi32, #tpu.memory_space<vmem>>, vector<4096x128xi32>
    tpu.vector_store %arg9[%swap3A_115, %swap3A_116], %concatenate3A_114 {strides = array<i32>} : memref<4096x128xi32, #tpu.memory_space<vmem>>, vector<4096x128xi32>,
    return
  }
  func.func @transform_0(%arg0: i32) -> (i32, i32) {
    %c0_i32 = arith.constant 0 : i32
    %c0_i32_0 = arith.constant 0 : i32
    return %c0_i32, %arg0 : i32, i32
  }
  func.func @transform_1(%arg0: i32) -> (i32, i32) {
    %c0_i32 = arith.constant 0 : i32
    %c0_i32_0 = arith.constant 0 : i32
    return %c0_i32, %arg0 : i32, i32
  }
  func.func @transform_2(%arg0: i32) -> (i32, i32) {
    %c0_i32 = arith.constant 0 : i32
    %c0_i32_0 = arith.constant 0 : i32
    return %c0_i32, %arg0 : i32, i32
  }
  func.func @transform_3(%arg0: i32) -> (i32, i32) {
    %c0_i32 = arith.constant 0 : i32
    %c0_i32_0 = arith.constant 0 : i32
    return %c0_i32, %arg0 : i32, i32
  }
  func.func @transform_4(%arg0: i32) -> (i32, i32) {
    %c0_i32 = arith.constant 0 : i32
    %c0_i32_0 = arith.constant 0 : i32
    %c0_i32_1 = arith.constant 0 : i32
    return %c0_i32, %c0_i32_0 : i32, i32
  }
  func.func @transform_5(%arg0: i32) -> (i32, i32) {
    %c0_i32 = arith.constant 0 : i32
    %c0_i32_0 = arith.constant 0 : i32
    return %arg0, %c0_i32 : i32, i32
  }
  func.func @transform_6(%arg0: i32) -> (i32, i32) {
    %c0_i32 = arith.constant 0 : i32
    %c0_i32_0 = arith.constant 0 : i32
    return %arg0, %c0_i32 : i32, i32
  }
  func.func @transform_7(%arg0: i32) -> (i32, i32) {
    %c0_i32 = arith.constant 0 : i32
    %c0_i32_0 = arith.constant 0 : i32
    return %arg0, %c0_i32 : i32, i32
  }
  func.func @transform_8(%arg0: i32) -> (i32, i32) {
    %c0_i32 = arith.constant 0 : i32
    %c0_i32_0 = arith.constant 0 : i32
    return %arg0, %c0_i32 : i32, i32
  }
}

module attributes {stable_mosaic.version = 14 : i64} {
  func.func @_tc_dense_body(%arg0: i32, %arg1: memref<2048x1xi32, #tpu.memory_space<vmem>>, %arg2: memref<2048x1xi32, #tpu.memory_space<vmem>>, %arg3: memref<2048x128xi32, #tpu.memory_space<vmem>>, %arg4: memref<2048x128xi32, #tpu.memory_space<vmem>>, %arg5: memref<2048x128xi32, #tpu.memory_space<vmem>>, %arg6: memref<2048x128xi32, #tpu.memory_space<vmem>>, %arg7: memref<64x128xf32, #tpu.memory_space<vmem>>, %arg8: memref<64x128xf32, #tpu.memory_space<vmem>>, %arg9: memref<1x128xf32, #tpu.memory_space<vmem>>, %arg10: memref<128x64xf32, #tpu.memory_space<vmem>>, %arg11: memref<1x64xf32, #tpu.memory_space<vmem>>, %arg12: memref<64x32xf32, #tpu.memory_space<vmem>>, %arg13: memref<1x32xf32, #tpu.memory_space<vmem>>, %arg14: memref<1x64xf32, #tpu.memory_space<vmem>>, %arg15: memref<1x32xf32, #tpu.memory_space<vmem>>, %arg16: memref<1x1xf32, #tpu.memory_space<vmem>>, %arg17: memref<2048xf32, #tpu.memory_space<vmem>>) attributes {dimension_semantics = [#tpu.dimension_semantics<arbitrary>], iteration_bounds = array<i64: 8>, scalar_prefetch = 0 : i64, scratch_operands = 0 : i64, tpu.core_type = #tpu.core_type<tc>, window_params = [{transform_indices = @transform_0, window_bounds = array<i64: 2048, 1>}, {transform_indices = @transform_1, window_bounds = array<i64: 2048, 1>}, {transform_indices = @transform_2, window_bounds = array<i64: 2048, 128>}, {transform_indices = @transform_3, window_bounds = array<i64: 2048, 128>}, {transform_indices = @transform_4, window_bounds = array<i64: 2048, 128>}, {transform_indices = @transform_5, window_bounds = array<i64: 2048, 128>}, {pipeline_mode = #tpu.pipeline_mode<synchronous>, transform_indices = @transform_6, window_bounds = array<i64: 64, 128>}, {pipeline_mode = #tpu.pipeline_mode<synchronous>, transform_indices = @transform_7, window_bounds = array<i64: 64, 128>}, {pipeline_mode = #tpu.pipeline_mode<synchronous>, transform_indices = @transform_8, window_bounds = array<i64: 1, 128>}, {pipeline_mode = #tpu.pipeline_mode<synchronous>, transform_indices = @transform_9, window_bounds = array<i64: 128, 64>}, {pipeline_mode = #tpu.pipeline_mode<synchronous>, transform_indices = @transform_10, window_bounds = array<i64: 1, 64>}, {pipeline_mode = #tpu.pipeline_mode<synchronous>, transform_indices = @transform_11, window_bounds = array<i64: 64, 32>}, {pipeline_mode = #tpu.pipeline_mode<synchronous>, transform_indices = @transform_12, window_bounds = array<i64: 1, 32>}, {pipeline_mode = #tpu.pipeline_mode<synchronous>, transform_indices = @transform_13, window_bounds = array<i64: 1, 64>}, {pipeline_mode = #tpu.pipeline_mode<synchronous>, transform_indices = @transform_14, window_bounds = array<i64: 1, 32>}, {pipeline_mode = #tpu.pipeline_mode<synchronous>, transform_indices = @transform_15, window_bounds = array<i64: 1, 1>}, {transform_indices = @transform_16, window_bounds = array<i64: 2048>}]} {
    %get3A = arith.constant 0 : index
    %get3A_0 = arith.constant 0 : index
    %get3A_1 = vector.load %arg1[%get3A, %get3A_0] : memref<2048x1xi32, #tpu.memory_space<vmem>>, vector<2048x1xi32>
    %get3A_2 = arith.constant 0 : index
    %get3A_3 = arith.constant 0 : index
    %get3A_4 = vector.load %arg2[%get3A_2, %get3A_3] : memref<2048x1xi32, #tpu.memory_space<vmem>>, vector<2048x1xi32>
    %get3A_5 = arith.constant 0 : index
    %get3A_6 = arith.constant 0 : index
    %get3A_7 = vector.load %arg3[%get3A_5, %get3A_6] : memref<2048x128xi32, #tpu.memory_space<vmem>>, vector<2048x128xi32>
    %and3A = arith.constant 8192 : i32
    %and3A_8 = vector.broadcast %and3A : i32 to vector<2048x1xi32>
    %and3A_9 = arith.andi %get3A_1, %and3A_8 : vector<2048x1xi32>
    %eq3A = arith.constant 8192 : i32
    %eq3A_10 = vector.broadcast %eq3A : i32 to vector<2048x1xi32>
    %eq3A_11 = arith.cmpi eq, %and3A_9, %eq3A_10 : vector<2048x1xi32>
    %slice3A = vector.extract_strided_slice %get3A_7 {offsets = [0, 64], sizes = [2048, 64], strides = [1, 1]} : vector<2048x128xi32> to vector<2048x64xi32>
    %slice3A_12 = vector.extract_strided_slice %get3A_7 {offsets = [0, 0], sizes = [2048, 64], strides = [1, 1]} : vector<2048x128xi32> to vector<2048x64xi32>
    %broadcast_in_dim3A = vector.shape_cast %eq3A_11 : vector<2048x1xi1> to vector<2048x1xi1>
    %broadcast_in_dim3A_13 = vector.broadcast %broadcast_in_dim3A : vector<2048x1xi1> to vector<2048x64xi1>
    %select_n3A = arith.select %broadcast_in_dim3A_13, %slice3A, %slice3A_12 : vector<2048x64xi1>, vector<2048x64xi32>
    %and3A_14 = arith.constant 4096 : i32
    %and3A_15 = vector.broadcast %and3A_14 : i32 to vector<2048x1xi32>
    %and3A_16 = arith.andi %get3A_1, %and3A_15 : vector<2048x1xi32>
    %eq3A_17 = arith.constant 4096 : i32
    %eq3A_18 = vector.broadcast %eq3A_17 : i32 to vector<2048x1xi32>
    %eq3A_19 = arith.cmpi eq, %and3A_16, %eq3A_18 : vector<2048x1xi32>
    %shift_right_logical3A = arith.constant 16 : i32
    %shift_right_logical3A_20 = vector.broadcast %shift_right_logical3A : i32 to vector<2048x64xi32>
    %shift_right_logical3A_21 = arith.shrui %select_n3A, %shift_right_logical3A_20 : vector<2048x64xi32>
    %broadcast_in_dim3A_22 = vector.shape_cast %eq3A_19 : vector<2048x1xi1> to vector<2048x1xi1>
    %broadcast_in_dim3A_23 = vector.broadcast %broadcast_in_dim3A_22 : vector<2048x1xi1> to vector<2048x64xi1>
    %select_n3A_24 = arith.select %broadcast_in_dim3A_23, %shift_right_logical3A_21, %select_n3A : vector<2048x64xi1>, vector<2048x64xi32>
    %and3A_25 = arith.constant 65535 : i32
    %and3A_26 = vector.broadcast %and3A_25 : i32 to vector<2048x64xi32>
    %and3A_27 = arith.andi %select_n3A_24, %and3A_26 : vector<2048x64xi32>
    %shift_left3A = arith.constant 16 : i32
    %shift_left3A_28 = vector.broadcast %shift_left3A : i32 to vector<2048x64xi32>
    %shift_left3A_29 = arith.shli %and3A_27, %shift_left3A_28 : vector<2048x64xi32>
    %bitcast_convert_type3A = tpu.bitcast %shift_left3A_29 : vector<2048x64xi32> -> vector<2048x64xf32>
    %get3A_30 = arith.constant 0 : index
    %get3A_31 = arith.constant 0 : index
    %get3A_32 = vector.load %arg4[%get3A_30, %get3A_31] : memref<2048x128xi32, #tpu.memory_space<vmem>>, vector<2048x128xi32>
    %and3A_33 = arith.constant 8192 : i32
    %and3A_34 = vector.broadcast %and3A_33 : i32 to vector<2048x1xi32>
    %and3A_35 = arith.andi %get3A_4, %and3A_34 : vector<2048x1xi32>
    %eq3A_36 = arith.constant 8192 : i32
    %eq3A_37 = vector.broadcast %eq3A_36 : i32 to vector<2048x1xi32>
    %eq3A_38 = arith.cmpi eq, %and3A_35, %eq3A_37 : vector<2048x1xi32>
    %slice3A_39 = vector.extract_strided_slice %get3A_32 {offsets = [0, 64], sizes = [2048, 64], strides = [1, 1]} : vector<2048x128xi32> to vector<2048x64xi32>
    %slice3A_40 = vector.extract_strided_slice %get3A_32 {offsets = [0, 0], sizes = [2048, 64], strides = [1, 1]} : vector<2048x128xi32> to vector<2048x64xi32>
    %broadcast_in_dim3A_41 = vector.shape_cast %eq3A_38 : vector<2048x1xi1> to vector<2048x1xi1>
    %broadcast_in_dim3A_42 = vector.broadcast %broadcast_in_dim3A_41 : vector<2048x1xi1> to vector<2048x64xi1>
    %select_n3A_43 = arith.select %broadcast_in_dim3A_42, %slice3A_39, %slice3A_40 : vector<2048x64xi1>, vector<2048x64xi32>
    %and3A_44 = arith.constant 4096 : i32
    %and3A_45 = vector.broadcast %and3A_44 : i32 to vector<2048x1xi32>
    %and3A_46 = arith.andi %get3A_4, %and3A_45 : vector<2048x1xi32>
    %eq3A_47 = arith.constant 4096 : i32
    %eq3A_48 = vector.broadcast %eq3A_47 : i32 to vector<2048x1xi32>
    %eq3A_49 = arith.cmpi eq, %and3A_46, %eq3A_48 : vector<2048x1xi32>
    %shift_right_logical3A_50 = arith.constant 16 : i32
    %shift_right_logical3A_51 = vector.broadcast %shift_right_logical3A_50 : i32 to vector<2048x64xi32>
    %shift_right_logical3A_52 = arith.shrui %select_n3A_43, %shift_right_logical3A_51 : vector<2048x64xi32>
    %broadcast_in_dim3A_53 = vector.shape_cast %eq3A_49 : vector<2048x1xi1> to vector<2048x1xi1>
    %broadcast_in_dim3A_54 = vector.broadcast %broadcast_in_dim3A_53 : vector<2048x1xi1> to vector<2048x64xi1>
    %select_n3A_55 = arith.select %broadcast_in_dim3A_54, %shift_right_logical3A_52, %select_n3A_43 : vector<2048x64xi1>, vector<2048x64xi32>
    %and3A_56 = arith.constant 65535 : i32
    %and3A_57 = vector.broadcast %and3A_56 : i32 to vector<2048x64xi32>
    %and3A_58 = arith.andi %select_n3A_55, %and3A_57 : vector<2048x64xi32>
    %shift_left3A_59 = arith.constant 16 : i32
    %shift_left3A_60 = vector.broadcast %shift_left3A_59 : i32 to vector<2048x64xi32>
    %shift_left3A_61 = arith.shli %and3A_58, %shift_left3A_60 : vector<2048x64xi32>
    %bitcast_convert_type3A_62 = tpu.bitcast %shift_left3A_61 : vector<2048x64xi32> -> vector<2048x64xf32>
    %get3A_63 = arith.constant 0 : index
    %get3A_64 = arith.constant 0 : index
    %get3A_65 = vector.load %arg5[%get3A_63, %get3A_64] : memref<2048x128xi32, #tpu.memory_space<vmem>>, vector<2048x128xi32>
    %and3A_66 = arith.constant 8192 : i32
    %and3A_67 = vector.broadcast %and3A_66 : i32 to vector<2048x1xi32>
    %and3A_68 = arith.andi %get3A_1, %and3A_67 : vector<2048x1xi32>
    %eq3A_69 = arith.constant 8192 : i32
    %eq3A_70 = vector.broadcast %eq3A_69 : i32 to vector<2048x1xi32>
    %eq3A_71 = arith.cmpi eq, %and3A_68, %eq3A_70 : vector<2048x1xi32>
    %slice3A_72 = vector.extract_strided_slice %get3A_65 {offsets = [0, 64], sizes = [2048, 64], strides = [1, 1]} : vector<2048x128xi32> to vector<2048x64xi32>
    %slice3A_73 = vector.extract_strided_slice %get3A_65 {offsets = [0, 0], sizes = [2048, 64], strides = [1, 1]} : vector<2048x128xi32> to vector<2048x64xi32>
    %broadcast_in_dim3A_74 = vector.shape_cast %eq3A_71 : vector<2048x1xi1> to vector<2048x1xi1>
    %broadcast_in_dim3A_75 = vector.broadcast %broadcast_in_dim3A_74 : vector<2048x1xi1> to vector<2048x64xi1>
    %select_n3A_76 = arith.select %broadcast_in_dim3A_75, %slice3A_72, %slice3A_73 : vector<2048x64xi1>, vector<2048x64xi32>
    %and3A_77 = arith.constant 4096 : i32
    %and3A_78 = vector.broadcast %and3A_77 : i32 to vector<2048x1xi32>
    %and3A_79 = arith.andi %get3A_1, %and3A_78 : vector<2048x1xi32>
    %eq3A_80 = arith.constant 4096 : i32
    %eq3A_81 = vector.broadcast %eq3A_80 : i32 to vector<2048x1xi32>
    %eq3A_82 = arith.cmpi eq, %and3A_79, %eq3A_81 : vector<2048x1xi32>
    %shift_right_logical3A_83 = arith.constant 16 : i32
    %shift_right_logical3A_84 = vector.broadcast %shift_right_logical3A_83 : i32 to vector<2048x64xi32>
    %shift_right_logical3A_85 = arith.shrui %select_n3A_76, %shift_right_logical3A_84 : vector<2048x64xi32>
    %broadcast_in_dim3A_86 = vector.shape_cast %eq3A_82 : vector<2048x1xi1> to vector<2048x1xi1>
    %broadcast_in_dim3A_87 = vector.broadcast %broadcast_in_dim3A_86 : vector<2048x1xi1> to vector<2048x64xi1>
    %select_n3A_88 = arith.select %broadcast_in_dim3A_87, %shift_right_logical3A_85, %select_n3A_76 : vector<2048x64xi1>, vector<2048x64xi32>
    %and3A_89 = arith.constant 65535 : i32
    %and3A_90 = vector.broadcast %and3A_89 : i32 to vector<2048x64xi32>
    %and3A_91 = arith.andi %select_n3A_88, %and3A_90 : vector<2048x64xi32>
    %shift_left3A_92 = arith.constant 16 : i32
    %shift_left3A_93 = vector.broadcast %shift_left3A_92 : i32 to vector<2048x64xi32>
    %shift_left3A_94 = arith.shli %and3A_91, %shift_left3A_93 : vector<2048x64xi32>
    %bitcast_convert_type3A_95 = tpu.bitcast %shift_left3A_94 : vector<2048x64xi32> -> vector<2048x64xf32>
    %get3A_96 = arith.constant 0 : index
    %get3A_97 = arith.constant 0 : index
    %get3A_98 = vector.load %arg6[%get3A_96, %get3A_97] : memref<2048x128xi32, #tpu.memory_space<vmem>>, vector<2048x128xi32>
    %and3A_99 = arith.constant 8192 : i32
    %and3A_100 = vector.broadcast %and3A_99 : i32 to vector<2048x1xi32>
    %and3A_101 = arith.andi %get3A_4, %and3A_100 : vector<2048x1xi32>
    %eq3A_102 = arith.constant 8192 : i32
    %eq3A_103 = vector.broadcast %eq3A_102 : i32 to vector<2048x1xi32>
    %eq3A_104 = arith.cmpi eq, %and3A_101, %eq3A_103 : vector<2048x1xi32>
    %slice3A_105 = vector.extract_strided_slice %get3A_98 {offsets = [0, 64], sizes = [2048, 64], strides = [1, 1]} : vector<2048x128xi32> to vector<2048x64xi32>
    %slice3A_106 = vector.extract_strided_slice %get3A_98 {offsets = [0, 0], sizes = [2048, 64], strides = [1, 1]} : vector<2048x128xi32> to vector<2048x64xi32>
    %broadcast_in_dim3A_107 = vector.shape_cast %eq3A_104 : vector<2048x1xi1> to vector<2048x1xi1>
    %broadcast_in_dim3A_108 = vector.broadcast %broadcast_in_dim3A_107 : vector<2048x1xi1> to vector<2048x64xi1>
    %select_n3A_109 = arith.select %broadcast_in_dim3A_108, %slice3A_105, %slice3A_106 : vector<2048x64xi1>, vector<2048x64xi32>
    %and3A_110 = arith.constant 4096 : i32
    %and3A_111 = vector.broadcast %and3A_110 : i32 to vector<2048x1xi32>
    %and3A_112 = arith.andi %get3A_4, %and3A_111 : vector<2048x1xi32>
    %eq3A_113 = arith.constant 4096 : i32
    %eq3A_114 = vector.broadcast %eq3A_113 : i32 to vector<2048x1xi32>
    %eq3A_115 = arith.cmpi eq, %and3A_112, %eq3A_114 : vector<2048x1xi32>
    %shift_right_logical3A_116 = arith.constant 16 : i32
    %shift_right_logical3A_117 = vector.broadcast %shift_right_logical3A_116 : i32 to vector<2048x64xi32>
    %shift_right_logical3A_118 = arith.shrui %select_n3A_109, %shift_right_logical3A_117 : vector<2048x64xi32>
    %broadcast_in_dim3A_119 = vector.shape_cast %eq3A_115 : vector<2048x1xi1> to vector<2048x1xi1>
    %broadcast_in_dim3A_120 = vector.broadcast %broadcast_in_dim3A_119 : vector<2048x1xi1> to vector<2048x64xi1>
    %select_n3A_121 = arith.select %broadcast_in_dim3A_120, %shift_right_logical3A_118, %select_n3A_109 : vector<2048x64xi1>, vector<2048x64xi32>
    %and3A_122 = arith.constant 65535 : i32
    %and3A_123 = vector.broadcast %and3A_122 : i32 to vector<2048x64xi32>
    %and3A_124 = arith.andi %select_n3A_121, %and3A_123 : vector<2048x64xi32>
    %shift_left3A_125 = arith.constant 16 : i32
    %shift_left3A_126 = vector.broadcast %shift_left3A_125 : i32 to vector<2048x64xi32>
    %shift_left3A_127 = arith.shli %and3A_124, %shift_left3A_126 : vector<2048x64xi32>
    %bitcast_convert_type3A_128 = tpu.bitcast %shift_left3A_127 : vector<2048x64xi32> -> vector<2048x64xf32>
    %mul3A = arith.mulf %bitcast_convert_type3A, %bitcast_convert_type3A_62 : vector<2048x64xf32>
    %get3A_129 = arith.constant 0 : index
    %get3A_130 = arith.constant 0 : index
    %get3A_131 = vector.load %arg7[%get3A_129, %get3A_130] : memref<64x128xf32, #tpu.memory_space<vmem>>, vector<64x128xf32>
    %dot_general3A = arith.constant dense<0.000000e+00> : vector<2048x128xf32>
    %dot_general3A_132 = tpu.matmul %bitcast_convert_type3A_95, %get3A_131, %dot_general3A {dimension_numbers = #tpu.dot_dimension_numbers<[1], [0], [0], [1], [0, 0, 1, 1], [], []>, transpose_lhs_hint = false} : vector<2048x64xf32>, vector<64x128xf32>, vector<2048x128xf32> -> vector<2048x128xf32>
    %get3A_133 = arith.constant 0 : index
    %get3A_134 = arith.constant 0 : index
    %get3A_135 = vector.load %arg8[%get3A_133, %get3A_134] : memref<64x128xf32, #tpu.memory_space<vmem>>, vector<64x128xf32>
    %dot_general3A_136 = arith.constant dense<0.000000e+00> : vector<2048x128xf32>
    %dot_general3A_137 = tpu.matmul %bitcast_convert_type3A_128, %get3A_135, %dot_general3A_136 {dimension_numbers = #tpu.dot_dimension_numbers<[1], [0], [0], [1], [0, 0, 1, 1], [], []>, transpose_lhs_hint = false} : vector<2048x64xf32>, vector<64x128xf32>, vector<2048x128xf32> -> vector<2048x128xf32>
    %add3A = arith.addf %dot_general3A_132, %dot_general3A_137 : vector<2048x128xf32>
    %get3A_138 = arith.constant 0 : index
    %get3A_139 = arith.constant 0 : index
    %get3A_140 = vector.load %arg9[%get3A_138, %get3A_139] : memref<1x128xf32, #tpu.memory_space<vmem>>, vector<1x128xf32>
    %add3A_141 = vector.broadcast %get3A_140 : vector<1x128xf32> to vector<2048x128xf32>
    %add3A_142 = arith.addf %add3A, %add3A_141 : vector<2048x128xf32>
    %max3A = arith.constant 0.000000e+00 : f32
    %max3A_143 = vector.broadcast %max3A : f32 to vector<2048x128xf32>
    %max3A_144 = arith.maximumf %add3A_142, %max3A_143 : vector<2048x128xf32>
    %get3A_145 = arith.constant 0 : index
    %get3A_146 = arith.constant 0 : index
    %get3A_147 = vector.load %arg10[%get3A_145, %get3A_146] : memref<128x64xf32, #tpu.memory_space<vmem>>, vector<128x64xf32>
    %dot_general3A_148 = arith.constant dense<0.000000e+00> : vector<2048x64xf32>
    %dot_general3A_149 = tpu.matmul %max3A_144, %get3A_147, %dot_general3A_148 {dimension_numbers = #tpu.dot_dimension_numbers<[1], [0], [0], [1], [0, 0, 1, 1], [], []>, transpose_lhs_hint = false} : vector<2048x128xf32>, vector<128x64xf32>, vector<2048x64xf32> -> vector<2048x64xf32>
    %get3A_150 = arith.constant 0 : index
    %get3A_151 = arith.constant 0 : index
    %get3A_152 = vector.load %arg11[%get3A_150, %get3A_151] : memref<1x64xf32, #tpu.memory_space<vmem>>, vector<1x64xf32>
    %add3A_153 = vector.broadcast %get3A_152 : vector<1x64xf32> to vector<2048x64xf32>
    %add3A_154 = arith.addf %dot_general3A_149, %add3A_153 : vector<2048x64xf32>
    %max3A_155 = arith.constant 0.000000e+00 : f32
    %max3A_156 = vector.broadcast %max3A_155 : f32 to vector<2048x64xf32>
    %max3A_157 = arith.maximumf %add3A_154, %max3A_156 : vector<2048x64xf32>
    %get3A_158 = arith.constant 0 : index
    %get3A_159 = arith.constant 0 : index
    %get3A_160 = vector.load %arg12[%get3A_158, %get3A_159] : memref<64x32xf32, #tpu.memory_space<vmem>>, vector<64x32xf32>
    %dot_general3A_161 = arith.constant dense<0.000000e+00> : vector<2048x32xf32>
    %dot_general3A_162 = tpu.matmul %max3A_157, %get3A_160, %dot_general3A_161 {dimension_numbers = #tpu.dot_dimension_numbers<[1], [0], [0], [1], [0, 0, 1, 1], [], []>, transpose_lhs_hint = false} : vector<2048x64xf32>, vector<64x32xf32>, vector<2048x32xf32> -> vector<2048x32xf32>
    %get3A_163 = arith.constant 0 : index
    %get3A_164 = arith.constant 0 : index
    %get3A_165 = vector.load %arg13[%get3A_163, %get3A_164] : memref<1x32xf32, #tpu.memory_space<vmem>>, vector<1x32xf32>
    %add3A_166 = vector.broadcast %get3A_165 : vector<1x32xf32> to vector<2048x32xf32>
    %add3A_167 = arith.addf %dot_general3A_162, %add3A_166 : vector<2048x32xf32>
    %max3A_168 = arith.constant 0.000000e+00 : f32
    %max3A_169 = vector.broadcast %max3A_168 : f32 to vector<2048x32xf32>
    %max3A_170 = arith.maximumf %add3A_167, %max3A_169 : vector<2048x32xf32>
    %get3A_171 = arith.constant 0 : index
    %get3A_172 = arith.constant 0 : index
    %get3A_173 = vector.load %arg14[%get3A_171, %get3A_172] : memref<1x64xf32, #tpu.memory_space<vmem>>, vector<1x64xf32>
    %mul3A_174 = vector.broadcast %get3A_173 : vector<1x64xf32> to vector<2048x64xf32>
    %mul3A_175 = arith.mulf %mul3A, %mul3A_174 : vector<2048x64xf32>
    %reduce_sum3A = arith.constant dense<0.000000e+00> : vector<2048xf32>
    %reduce_sum3A_176 = vector.multi_reduction <add>, %mul3A_175, %reduce_sum3A [1] : vector<2048x64xf32> to vector<2048xf32>
    %get3A_177 = arith.constant 0 : index
    %get3A_178 = arith.constant 0 : index
    %get3A_179 = vector.load %arg15[%get3A_177, %get3A_178] : memref<1x32xf32, #tpu.memory_space<vmem>>, vector<1x32xf32>
    %mul3A_180 = vector.broadcast %get3A_179 : vector<1x32xf32> to vector<2048x32xf32>
    %mul3A_181 = arith.mulf %max3A_170, %mul3A_180 : vector<2048x32xf32>
    %reduce_sum3A_182 = arith.constant dense<0.000000e+00> : vector<2048xf32>
    %reduce_sum3A_183 = vector.multi_reduction <add>, %mul3A_181, %reduce_sum3A_182 [1] : vector<2048x32xf32> to vector<2048xf32>
    %add3A_184 = arith.addf %reduce_sum3A_176, %reduce_sum3A_183 : vector<2048xf32>
    %get3A_185 = arith.constant 0 : index
    %get3A_186 = arith.constant 0 : index
    %get3A_187 = vector.load %arg16[%get3A_185, %get3A_186] : memref<1x1xf32, #tpu.memory_space<vmem>>, vector<1x1xf32>
    %get3A_188 = vector.extract %get3A_187[0, 0] : f32 from vector<1x1xf32>
    %add3A_189 = vector.broadcast %get3A_188 : f32 to vector<2048xf32>
    %add3A_190 = arith.addf %add3A_184, %add3A_189 : vector<2048xf32>
    %logistic3A = arith.negf %add3A_190 : vector<2048xf32>
    %logistic3A_191 = math.exp %logistic3A : vector<2048xf32>
    %logistic3A_192 = arith.constant 1.000000e+00 : f32
    %logistic3A_193 = vector.broadcast %logistic3A_192 : f32 to vector<2048xf32>
    %logistic3A_194 = arith.addf %logistic3A_193, %logistic3A_191 : vector<2048xf32>
    %logistic3A_195 = arith.divf %logistic3A_193, %logistic3A_194 : vector<2048xf32>
    %swap3A = arith.constant 0 : index
    %swap3A_196 = vector.load %arg17[%swap3A] : memref<2048xf32, #tpu.memory_space<vmem>>, vector<2048xf32>
    tpu.vector_store %arg17[%swap3A], %logistic3A_195 {strides = array<i32>} : memref<2048xf32, #tpu.memory_space<vmem>>, vector<2048xf32>,
    return
  }
  func.func @transform_0(%arg0: i32) -> (i32, i32) {
    %c0_i32 = arith.constant 0 : i32
    %c0_i32_0 = arith.constant 0 : i32
    return %arg0, %c0_i32 : i32, i32
  }
  func.func @transform_1(%arg0: i32) -> (i32, i32) {
    %c0_i32 = arith.constant 0 : i32
    %c0_i32_0 = arith.constant 0 : i32
    return %arg0, %c0_i32 : i32, i32
  }
  func.func @transform_2(%arg0: i32) -> (i32, i32) {
    %c0_i32 = arith.constant 0 : i32
    %c0_i32_0 = arith.constant 0 : i32
    return %arg0, %c0_i32 : i32, i32
  }
  func.func @transform_3(%arg0: i32) -> (i32, i32) {
    %c0_i32 = arith.constant 0 : i32
    %c0_i32_0 = arith.constant 0 : i32
    return %arg0, %c0_i32 : i32, i32
  }
  func.func @transform_4(%arg0: i32) -> (i32, i32) {
    %c0_i32 = arith.constant 0 : i32
    %c0_i32_0 = arith.constant 0 : i32
    return %arg0, %c0_i32 : i32, i32
  }
  func.func @transform_5(%arg0: i32) -> (i32, i32) {
    %c0_i32 = arith.constant 0 : i32
    %c0_i32_0 = arith.constant 0 : i32
    return %arg0, %c0_i32 : i32, i32
  }
  func.func @transform_6(%arg0: i32) -> (i32, i32) {
    %c0_i32 = arith.constant 0 : i32
    %c0_i32_0 = arith.constant 0 : i32
    %c0_i32_1 = arith.constant 0 : i32
    return %c0_i32, %c0_i32_0 : i32, i32
  }
  func.func @transform_7(%arg0: i32) -> (i32, i32) {
    %c0_i32 = arith.constant 0 : i32
    %c0_i32_0 = arith.constant 0 : i32
    %c0_i32_1 = arith.constant 0 : i32
    return %c0_i32, %c0_i32_0 : i32, i32
  }
  func.func @transform_8(%arg0: i32) -> (i32, i32) {
    %c0_i32 = arith.constant 0 : i32
    %c0_i32_0 = arith.constant 0 : i32
    %c0_i32_1 = arith.constant 0 : i32
    return %c0_i32, %c0_i32_0 : i32, i32
  }
  func.func @transform_9(%arg0: i32) -> (i32, i32) {
    %c0_i32 = arith.constant 0 : i32
    %c0_i32_0 = arith.constant 0 : i32
    %c0_i32_1 = arith.constant 0 : i32
    return %c0_i32, %c0_i32_0 : i32, i32
  }
  func.func @transform_10(%arg0: i32) -> (i32, i32) {
    %c0_i32 = arith.constant 0 : i32
    %c0_i32_0 = arith.constant 0 : i32
    %c0_i32_1 = arith.constant 0 : i32
    return %c0_i32, %c0_i32_0 : i32, i32
  }
  func.func @transform_11(%arg0: i32) -> (i32, i32) {
    %c0_i32 = arith.constant 0 : i32
    %c0_i32_0 = arith.constant 0 : i32
    %c0_i32_1 = arith.constant 0 : i32
    return %c0_i32, %c0_i32_0 : i32, i32
  }
  func.func @transform_12(%arg0: i32) -> (i32, i32) {
    %c0_i32 = arith.constant 0 : i32
    %c0_i32_0 = arith.constant 0 : i32
    %c0_i32_1 = arith.constant 0 : i32
    return %c0_i32, %c0_i32_0 : i32, i32
  }
  func.func @transform_13(%arg0: i32) -> (i32, i32) {
    %c0_i32 = arith.constant 0 : i32
    %c0_i32_0 = arith.constant 0 : i32
    %c0_i32_1 = arith.constant 0 : i32
    return %c0_i32, %c0_i32_0 : i32, i32
  }
  func.func @transform_14(%arg0: i32) -> (i32, i32) {
    %c0_i32 = arith.constant 0 : i32
    %c0_i32_0 = arith.constant 0 : i32
    %c0_i32_1 = arith.constant 0 : i32
    return %c0_i32, %c0_i32_0 : i32, i32
  }
  func.func @transform_15(%arg0: i32) -> (i32, i32) {
    %c0_i32 = arith.constant 0 : i32
    %c0_i32_0 = arith.constant 0 : i32
    %c0_i32_1 = arith.constant 0 : i32
    return %c0_i32, %c0_i32_0 : i32, i32
  }
  func.func @transform_16(%arg0: i32) -> i32 {
    %c0_i32 = arith.constant 0 : i32
    return %arg0 : i32
  }
}

</mosaic_0001>

<sc_bundles>
// kernel: kernel.5.cloned.1.call-start
scs
__scs_entry_jumppad:
0x0: {  	(pc) =	sbr.rel $0x88, $3  }
0x1: {  	(tag) =	ssettag $0x0;
	lr =	simm.s32 $0x1  }
0x2: {  	[smem:$0x3F93] =	sst lr;
	_ =	strace $0xD0000000  }
0x3: {  	_ = 	snop  }
0x4: {  	_ = 	snop  }
0x5: {  	_ = 	snop  }
0x6: {  	_ = 	snop  }
0x7: {  	_ = 	snop  }
__scs_overlays_trampoline_lowered:
0x8: {  	[smem:$0x3FA2] =	sst s0  }
0x9: {  	[smem:$0x3FA3] =	sst s1  }
0xa: {  	[smem:$0x3FA4] =	sst s2  }
0xb: {  	[smem:$0x3FA5] =	sst s3  }
0xc: {  	[smem:$0x3FA6] =	sst s4  }
0xd: {  	[smem:$0x3FA7] =	sst s5  }
0xe: {  	[smem:$0x3FA8] =	sst s6  }
0xf: {  	[smem:$0x3FA9] =	sst s7  }
0x10: {  	[smem:$0x3FAA] =	sst s8  }
0x11: {  	[smem:$0x3FAB] =	sst s9;
	s0 =	simm.s32 @!p0 $0x0  }
0x12: {  	s1 =	sld [smem:$0x3F91];
	s0 =	simm.s32 @p0 $0x1  }
0x13: {  	[smem:$0x3FAC] =	sst s0;
	s0 =	simm.s32 @!p1 $0x0  }
0x14: {  	s2 =	sld [smem:$0x3F90];
	s0 =	simm.s32 @p1 $0x1  }
0x15: {  	[smem:$0x3FAD] =	sst s0;
	s0 =	simm.s32 @!p2 $0x0  }
0x16: {  	s3 =	sld [smem:$0x3FDB];
	s0 =	simm.s32 @p2 $0x1  }
0x17: {  	s4 =	simm.s32 $0x1BF5;
	[smem:$0x3FAF] =	sst s0  }
0x18: {  	s0 =	sld [smem:$0x3F92];
	_ =	swait.ge [sflag:s4], $0x0  }
0x19: {  	s7 =	sld [smem:$0x3F93]  }
0x1a: {  	s8 =	sadd.s32 $0xFFFFE003, lr  }
0x1b: {  	s9 =	sadd.s32 $0xFFFFFEF7, lr;
	s5 =	simm.s32 $0xFFFFFFFF;
	p2 =	slt.u32 s8, $0xFFFFF086  }
0x1c: {  	p1 =	slt.u32 s9, $0xF7A;
	s5 =	simm.s32 @!p2 $0x0  }
0x1d: {  	s5 =	simm.s32 @p1 $0x1;
	p0 =	seq.s32 s7, s2  }
0x1e: {  	s7 =	smul.u32 @!p0 $0xF7A, s2;
	p2 =	seq.s32 @!p0 s5, $0x0  }
0x1f: {  	s9 =	smul.u32 $0xF7A, s1;
	s8 =	simm.s32 @!p0 $0x1BF5;
	p2 =	por !p2, p0  }
0x20: {  	[sflag:s8] =	ssyncset.s32 @!p0 $0xFFFFF086;
	s6 =	sadd.s32 @!p0 s3, s7;
	s7 =	simm.s32 @!p0 $0x108  }
0x21: {  	s3 =	sadd.s32 s3, s9;
	s6 =	sadd.s32 @!p0 $0x88, s6;
	s7 =	simm.s32 @p2 $0x1082  }
0x22: {  	[simem:s7], [sflag:s8] =	dma.local @!p0 [hbm:s6], $0xF7A  }
0x23: {  	s9 =	sor.u32 $0xD0000000, s2;
	s6 =	simm.s32 $0x108;
	_ =	swait.ge @!p0 [sflag:s8], $0x0  }
0x24: {  	s3 =	sadd.s32 $0x88, s3;
	s6 =	simm.s32 @!p1 $0x1082;
	[sflag:s4] =	ssyncset.s32 $0xFFFFF086  }
0x25: {  	[simem:s6], [sflag:s4] =	dma.local [hbm:s3], $0xF7A  }
0x26: {  	[smem:$0x3F93] =	sst s1;
	(tag) =	ssettag s2;
	_ =	strace s9  }
0x27: {  	s1 =	sld [smem:$0x3FA3]  }
0x28: {  	s2 =	sld [smem:$0x3FA4]  }
0x29: {  	s4 =	sld [smem:$0x3FA6]  }
0x2a: {  	p0 =	seq.s32 s5, $0x0;
	s5 =	sld [smem:$0x3FA7]  }
0x2b: {  	s6 =	sld [smem:$0x3FA8]  }
0x2c: {  	s7 =	sld [smem:$0x3FA9]  }
0x2d: {  	s3 =	simm.s32 $0x108;
	s8 =	sld [smem:$0x3FAA]  }
0x2e: {  	s3 =	simm.s32 @!p0 $0x1082;
	s9 =	sld [smem:$0x3FAB]  }
0x2f: {  	lr =	sadd.s32 s0, s3;
	s0 =	sld [smem:$0x3FA2]  }
0x30: {  	s3 =	sld [smem:$0x3FA5]  }
0x31: {  	[smem:$0x3FAE] =	sst s10  }
0x32: {  	s10 =	sld [smem:$0x3FAC];
	_ =	sdelay $0x3  }
0x33: {  	p0 =	seq.s32 s10, $0x1;
	s10 =	sld [smem:$0x3FAE];
	_ =	sdelay $0x3  }
0x34: {  	[smem:$0x3FAE] =	sst s10  }
0x35: {  	s10 =	sld [smem:$0x3FAD];
	_ =	sdelay $0x3  }
0x36: {  	p1 =	seq.s32 s10, $0x1;
	s10 =	sld [smem:$0x3FAE];
	_ =	sdelay $0x3  }
0x37: {  	[smem:$0x3FAE] =	sst s10  }
0x38: {  	s10 =	sld [smem:$0x3FAF]  }
0x39: {  	_ = 	snop;
	(pc) =	sbr.ind lr, $3  }
0x3a: {  	_ = 	snop  }
0x3b: {  	_ = 	snop  }
0x3c: {  	p2 =	seq.s32 s10, $0x1;
	s10 =	sld [smem:$0x3FAE]  }
0x3d: {  	_ =	shalt  }
0x3e: {  	_ =	shalt  }
0x3f: {  	_ =	shalt  }
0x40: {  	_ =	shalt  }
0x41: {  	_ =	shalt  }
0x42: {  	_ =	shalt  }
0x43: {  	_ =	shalt  }
0x44: {  	_ =	shalt  }
0x45: {  	_ =	shalt  }
0x46: {  	_ =	shalt  }
0x47: {  	_ =	shalt  }
0x48: {  	_ =	shalt  }
0x49: {  	_ =	shalt  }
0x4a: {  	_ =	shalt  }
0x4b: {  	_ =	shalt  }
0x4c: {  	_ =	shalt  }
0x4d: {  	_ =	shalt  }
0x4e: {  	_ =	shalt  }
0x4f: {  	_ =	shalt  }
0x50: {  	_ =	shalt  }
0x51: {  	_ =	shalt  }
0x52: {  	_ =	shalt  }
0x53: {  	_ =	shalt  }
0x54: {  	_ =	shalt  }
0x55: {  	_ =	shalt  }
0x56: {  	_ =	shalt  }
0x57: {  	_ =	shalt  }
0x58: {  	_ =	shalt  }
0x59: {  	_ =	shalt  }
0x5a: {  	_ =	shalt  }
0x5b: {  	_ =	shalt  }
0x5c: {  	_ =	shalt  }
0x5d: {  	_ =	shalt  }
0x5e: {  	_ =	shalt  }
0x5f: {  	_ =	shalt  }
0x60: {  	_ =	shalt  }
0x61: {  	_ =	shalt  }
0x62: {  	_ =	shalt  }
0x63: {  	_ =	shalt  }
0x64: {  	_ =	shalt  }
0x65: {  	_ =	shalt  }
0x66: {  	_ =	shalt  }
0x67: {  	_ =	shalt  }
0x68: {  	_ =	shalt  }
0x69: {  	_ =	shalt  }
0x6a: {  	_ =	shalt  }
0x6b: {  	_ =	shalt  }
0x6c: {  	_ =	shalt  }
0x6d: {  	_ =	shalt  }
0x6e: {  	_ =	shalt  }
0x6f: {  	_ =	shalt  }
0x70: {  	_ =	shalt  }
0x71: {  	_ =	shalt  }
0x72: {  	_ =	shalt  }
0x73: {  	_ =	shalt  }
0x74: {  	_ =	shalt  }
0x75: {  	_ =	shalt  }
0x76: {  	_ =	shalt  }
0x77: {  	_ =	shalt  }
0x78: {  	_ =	shalt  }
0x79: {  	_ =	shalt  }
0x7a: {  	_ =	shalt  }
0x7b: {  	_ =	shalt  }
0x7c: {  	_ =	shalt  }
0x7d: {  	_ =	shalt  }
0x7e: {  	_ =	shalt  }
0x7f: {  	_ =	shalt  }
0x80: {  	_ =	shalt  }
0x81: {  	_ =	shalt  }
0x82: {  	_ =	shalt  }
0x83: {  	_ =	shalt  }
0x84: {  	_ =	shalt  }
0x85: {  	_ =	shalt  }
0x86: {  	_ =	shalt  }
0x87: {  	_ =	shalt  }
.Lfunc_end0:
.L_simem_size_0:
called_computation_lowered:
.L_overlay_start_0:
0x88: {  	s2 =	sld [smem:$0x3FD9]  }
0x89: {  	s3 =	sld [smem:$0x3FFE];
	_ =	sdelay $0x1  }
0x8a: {  	s1 =	srdreg.scid  }
0x8b: {  	s0 =	sand.u32 $0x1, s1  }
0x8c: {  	s17 =	sshll.u32 s0, $0xA;
	s2 =	sadd.s32 s3, s2  }
0x8d: {  	s2 =	sadd.s32 s2, s17  }
0x8e: {  	[smem:$0x3FBA] =	sst s2  }
0x8f: {  	_ = 	snop  }
0x90: {  	s2 =	sld [smem:$0x3FD0];
	(tm) =	ssettm $0x1  }
0x91: {  	s18 =	sld [smem:$0x3FFB];
	_ =	sdelay $0x3  }
0x92: {  	_ =	strace s18  }
0x93: {  	s3 =	sld [smem:$0x3FFC];
	_ =	sdelay $0x3  }
0x94: {  	_ =	strace s3  }
0x95: {  	s3 =	sld [smem:$0x3FFD];
	_ =	sdelay $0x3  }
0x96: {  	_ =	strace s3  }
0x97: {  	_ =	strace $0x8FFFFFFF  }
0x98: {  	s19 =	sld [smem:$0x3FDB];
	_ =	sdelay $0x1  }
0x99: {  	s4 =	simm.s32 $_scs_section_size  }
0x9a: {  	s5 =	simm.s32 $_size__tile_overlayer_lowered;
	s6 =	simm.s32 $_tile_overlayer_lowered  }
0x9b: {  	s22 =	simm.s32 $0x1BFF;
	s21 =	sshll.u32 s6, $0x1;
	s3 =	sadd.s32 s4, s19  }
0x9c: {  	s7 =	simm.s32 $0x0;
	s20 =	sshll.u32 s5, $0x1;
	s5 =	sadd.s32 s21, s3  }
0x9d: {  	[timem:s7], [sflag:s22] =	dma.local [hbm:s5], s20  }
0x9e: {  	_ =	swait.ge [sflag:s22], s20  }
0x9f: {  	s4 =	ssub.s32 $0x0, s20;
	[sflag:s22] =	ssyncset.done $0x0  }
0xa0: {  	[sflag:s22] =	ssyncadd.s32 s4;
	_ =	sdelay $0x1  }
0xa1: {  	s23 =	simm.s32 $0x1B8B  }
0xa2: {  	_ =	swait.ge [sflag:s23], $0x1  }
0xa3: {  	[sflag:s23] =	ssyncset.done $0x0  }
0xa4: {  	s25 =	simm.s32 $0x1B8E;
	s24 =	sld [smem:$0x3FFE];
	[sflag:s23] =	ssyncadd.s32 $0xFFFFFFFF  }
0xa5: {  	s26 =	simm.s32 $execute0_lowered;
	[smem:$0x3FD2] =	sst s25  }
0xa6: {  	s5 =	sshll.u32 s26, $0x1;
	_ =	strace $0x80000046;
	[dreg:$0x1] =	wrdreg $0xFFFFFFFF  }
0xa7: {  	s28 =	simm.s32 $_size_execute0_lowered;
	s3 =	sadd.s32 s3, s5;
	[dreg:$0x0] =	wrdreg $0x0  }
0xa8: {  	s5 =	sshll.u32 s28, $0x1;
	[dreg:$0x2] =	wrdreg s3  }
0xa9: {  	[dreg:$0x3] =	wrdreg s5  }
0xaa: {  	[dreg:$0x4] =	wrdreg $0xC0  }
0xab: {  	_ =	task [dreg:s7], $0x5FFFF  }
0xac: {  	[dreg:$0x1] =	wrdreg $0xFFFFFFFF  }
0xad: {  	[dreg:$0x0] =	wrdreg $0x60  }
0xae: {  	[dreg:$0x2] =	wrdreg s24  }
0xaf: {  	[dreg:$0x3] =	wrdreg s2  }
0xb0: {  	[dreg:$0x4] =	wrdreg $0x9  }
0xb1: {  	_ =	task.clear_ibuf [dreg:s7], $0x5FFFF;
	_ =	strace $0x90000046  }
0xb2: {  	s29 =	simm.s32 $0x9;
	_ =	strace $0x80000048  }
0xb3: {  	_ =	swait.ge [sflag:s29], $0x1  }
0xb4: {  	[sflag:s29] =	ssyncadd.s32 $0xFFFFFFFF  }
0xb5: {  	_ =	strace $0x90000048  }
0xb6: {  	_ =	sfence  }
0xb7: {  	s30 =	sld [smem:$0x0];
	_ =	sdelay $0x2  }
0xb8: {  	s31 =	sshll.u32 s1, $0xD;
	s1 =	sshrl.u32 s1, $0x2  }
0xb9: {  	s3 =	sand.u32 $0x4000, s31;
	s1 =	sadd.s32 s1, s30  }
0xba: {  	s0 =	sor.u32 s3, s0;
	s1 =	sshll.u32 s1, $0x11  }
0xbb: {  	s0 =	sor.u32 s1, s0  }
0xbc: {  	s0 =	sadd.s32 $0x8F2B, s0  }
0xbd: {  	[sflag:s0] =	ssyncadd.remote.s32 $0x1  }
0xbe: {  	_ =	sfence.sel $0xFFFF  }
0xbf: {  	[dreg:$0x0] =	wrdreg $0xFFFFFFFF;
	(pc) =	sbr.abs _section_cstart, $3  }
0xc0: {  	[dreg:$0x1] =	wrdreg $0xFFFFFFFF  }
0xc1: {  	_ =	task.clear_ibuf [dreg:s7], $0x2FFFF;
	_ =	strace $0x9FFFFFFF  }
0xc2: {  	(tm) =	ssettm $0x7FFFFFFF  }
0xc3: {  	_ =	shalt  }
tec
execute0_lowered:
.L_overlay_start_1:
0x0: {  	(tag) =	ssettag $0x1  }
0x1: {  	s1 =	srdreg.scid  }
0x2: {  	s0 =	stileid.u32;
	s31 =	sand.u32 $0x1, s1  }
0x3: {  	s26 =	sshll.u32 s0, $0xA;
	s2 =	sshll.u32 s31, $0x9  }
0x4: {  	s29 =	rddreg [dreg:$0x0];
	s14 =	sor.u32 s2, s26  }
0x5: {  	s5 =	rddreg [dreg:$0x1];
	s2 =	simm.s32 $0x0;
	s6 =	sshrl.u32 s14, $0x3  }
0x6: {  	[smem:$0x7FF] =	sst s2;
	s3 =	sadd.s32 s6, s29  }
0x7: {  	s4 =	simm.s32 $0x7;
	_ =	strace $0x80000047;
	s3 =	sadd.s32 $0x2200, s3  }
0x8: {  	[tilespmem:s2], [sflag:$0x7] =	stream.linear.gather [hbm4b:s3+s2], $0x200, $0x38;
	[tilespmem:$0x18400] =	vst v63  }
0x9: {  	_ =	swait.ge [sflag:s4], $0x200  }
0xa: {  	[sflag:s4] =	ssyncset.done $0x0  }
0xb: {  	s5 =	sadd.s32 s5, s6;
	s6 =	simm.s32 $0x200;
	[sflag:s4] =	ssyncadd.s32 $0xFFFFFE00  }
0xc: {  	[tilespmem:s6], [sflag:$0x7] =	stream.linear.gather [hbm4b:s5+s2], $0x200, $0x38;
	[tilespmem:$0x18400] =	vst v63  }
0xd: {  	_ =	swait.ge [sflag:s4], $0x200  }
0xe: {  	s8 =	simm.s32 $0x100;
	[sflag:s4] =	ssyncset.done $0x0  }
0xf: {  	s9 =	simm.s32 $0x400;
	s7 =	sadd.s32 $0x2A00, s29;
	[sflag:s4] =	ssyncadd.s32 $0xFFFFFE00  }
0x10: {  	[tilespmem:s9], [sflag:$0x1] =	stream.indirect.gather [hbm4b:s7+s8], $0x80, s2, s8, $0xb8;
	[tilespmem:$0x18400] =	vst v63  }
0x11: {  	s10 =	simm.s32 $0x8400  }
0x12: {  	[tilespmem:s10], [sflag:$0x2] =	stream.indirect.gather [hbm4b:s7+s8], $0x80, s8, s8, $0xb8;
	[tilespmem:$0x18400] =	vst v63  }
0x13: {  	s12 =	simm.s32 $0x10400;
	s13 =	simm.s32 $0x1;
	s11 =	sadd.s32 $0x3E2A00, s29  }
0x14: {  	[tilespmem:s12], [sflag:$0x3] =	stream.indirect.gather [hbm4b:s11+s8], $0x80, s6, s8, $0xb8;
	[tilespmem:$0x18400] =	vst v63  }
0x15: {  	_ =	swait.ge [sflag:s13], $0x8000  }
0x16: {  	s18 =	sadd.s32 $0xF82A00, s29;
	s30 =	sshll.u32 s14, $0x4;
	[sflag:s13] =	ssyncset.done $0x0  }
0x17: {  	s15 =	simm.s32 $0x4;
	s14 =	sadd.s32 s18, s30;
	[sflag:s13] =	ssyncadd.s32 $0xFFFF8000  }
0x18: {  	[hbm4b:s14+s2] =	stream.linear.scatter [tilespmem:s9], [sflag:$0x4], $0x8000, $0x38;
	[tilespmem:$0x18400] =	vst v63  }
0x19: {  	_ =	swait.ge [sflag:s15], $0x8000  }
0x1a: {  	[sflag:s15] =	ssyncset.done $0x0  }
0x1b: {  	s16 =	simm.s32 $0x300;
	s17 =	simm.s32 $0x2;
	[sflag:s15] =	ssyncadd.s32 $0xFFFF8000  }
0x1c: {  	[tilespmem:s9], [sflag:$0x1] =	stream.indirect.gather [hbm4b:s11+s8], $0x80, s16, s8, $0xb8;
	[tilespmem:$0x18400] =	vst v63  }
0x1d: {  	_ =	swait.ge [sflag:s17], $0x8000  }
0x1e: {  	s1 =	sor.u32 $0x1000, s30;
	[sflag:s17] =	ssyncset.done $0x0  }
0x1f: {  	s19 =	sadd.s32 s18, s1;
	s18 =	simm.s32 $0x5;
	[sflag:s17] =	ssyncadd.s32 $0xFFFF8000  }
0x20: {  	[hbm4b:s19+s2] =	stream.linear.scatter [tilespmem:s10], [sflag:$0x5], $0x8000, $0x38;
	[tilespmem:$0x18400] =	vst v63  }
0x21: {  	_ =	swait.ge [sflag:s18], $0x8000  }
0x22: {  	[sflag:s18] =	ssyncset.done $0x0  }
0x23: {  	s21 =	simm.s32 $0x3;
	s20 =	sadd.s32 $0x7C2A00, s29;
	[sflag:s18] =	ssyncadd.s32 $0xFFFF8000  }
0x24: {  	[tilespmem:s10], [sflag:$0x2] =	stream.indirect.gather [hbm4b:s20+s8], $0x80, s2, s8, $0xb8;
	[tilespmem:$0x18400] =	vst v63  }
0x25: {  	_ =	swait.ge [sflag:s21], $0x8000  }
0x26: {  	s24 =	sadd.s32 $0xFC2A00, s29;
	[sflag:s21] =	ssyncset.done $0x0  }
0x27: {  	s23 =	simm.s32 $0x6;
	s22 =	sadd.s32 s24, s30;
	[sflag:s21] =	ssyncadd.s32 $0xFFFF8000  }
0x28: {  	[hbm4b:s22+s2] =	stream.linear.scatter [tilespmem:s12], [sflag:$0x6], $0x8000, $0x38;
	[tilespmem:$0x18400] =	vst v63  }
0x29: {  	_ =	swait.ge [sflag:s23], $0x8000  }
0x2a: {  	[sflag:s23] =	ssyncset.done $0x0  }
0x2b: {  	[sflag:s23] =	ssyncadd.s32 $0xFFFF8000  }
0x2c: {  	[tilespmem:s12], [sflag:$0x3] =	stream.indirect.gather [hbm4b:s20+s8], $0x80, s8, s8, $0xb8;
	[tilespmem:$0x18400] =	vst v63  }
0x2d: {  	_ =	swait.ge [sflag:s13], $0x8000  }
0x2e: {  	[sflag:s13] =	ssyncset.done $0x0  }
0x2f: {  	s24 =	sadd.s32 s24, s1;
	[sflag:s13] =	ssyncadd.s32 $0xFFFF8000  }
0x30: {  	[hbm4b:s24+s2] =	stream.linear.scatter [tilespmem:s9], [sflag:$0x4], $0x8000, $0x38;
	[tilespmem:$0x18400] =	vst v63  }
0x31: {  	_ =	swait.ge [sflag:s15], $0x8000  }
0x32: {  	[sflag:s15] =	ssyncset.done $0x0  }
0x33: {  	s25 =	sadd.s32 $0xBA2A00, s29;
	[sflag:s15] =	ssyncadd.s32 $0xFFFF8000  }
0x34: {  	[tilespmem:s9], [sflag:$0x1] =	stream.indirect.gather [hbm4b:s25+s8], $0x80, s6, s8, $0xb8;
	[tilespmem:$0x18400] =	vst v63  }
0x35: {  	_ =	swait.ge [sflag:s17], $0x8000  }
0x36: {  	s28 =	sadd.s32 $0x1002A00, s29;
	[sflag:s17] =	ssyncset.done $0x0  }
0x37: {  	s26 =	sadd.s32 s28, s30;
	[sflag:s17] =	ssyncadd.s32 $0xFFFF8000  }
0x38: {  	[hbm4b:s26+s2] =	stream.linear.scatter [tilespmem:s10], [sflag:$0x5], $0x8000, $0x38;
	[tilespmem:$0x18400] =	vst v63  }
0x39: {  	_ =	swait.ge [sflag:s18], $0x8000  }
0x3a: {  	[sflag:s18] =	ssyncset.done $0x0  }
0x3b: {  	[sflag:s18] =	ssyncadd.s32 $0xFFFF8000  }
0x3c: {  	[tilespmem:s10], [sflag:$0x2] =	stream.indirect.gather [hbm4b:s25+s8], $0x80, s16, s8, $0xb8;
	[tilespmem:$0x18400] =	vst v63  }
0x3d: {  	_ =	swait.ge [sflag:s21], $0x8000  }
0x3e: {  	[sflag:s21] =	ssyncset.done $0x0  }
0x3f: {  	s28 =	sadd.s32 s28, s1;
	[sflag:s21] =	ssyncadd.s32 $0xFFFF8000  }
0x40: {  	[hbm4b:s28+s2] =	stream.linear.scatter [tilespmem:s12], [sflag:$0x6], $0x8000, $0x38;
	[tilespmem:$0x18400] =	vst v63  }
0x41: {  	_ =	swait.ge [sflag:s13], $0x8000  }
0x42: {  	s0 =	sadd.s32 $0x1042A00, s29;
	[sflag:s13] =	ssyncset.done $0x0  }
0x43: {  	s29 =	sadd.s32 s0, s30;
	[sflag:s13] =	ssyncadd.s32 $0xFFFF8000  }
0x44: {  	[hbm4b:s29+s2] =	stream.linear.scatter [tilespmem:s9], [sflag:$0x4], $0x8000, $0x38;
	[tilespmem:$0x18400] =	vst v63  }
0x45: {  	_ =	swait.ge [sflag:s17], $0x8000  }
0x46: {  	s30 =	sadd.s32 s0, s1;
	s0 =	ssub.s32 $0x2, s31;
	[sflag:s17] =	ssyncset.done $0x0  }
0x47: {  	s1 =	sshrl.u32 s0, $0x1;
	[sflag:s17] =	ssyncadd.s32 $0xFFFF8000  }
0x48: {  	[hbm4b:s30+s2] =	stream.linear.scatter [tilespmem:s10], [sflag:$0x5], $0x8000, $0x38;
	[tilespmem:$0x18400] =	vst v63  }
0x49: {  	s0 =	ssub.s32 s0, s1;
	_ =	swait.ge [sflag:s23], $0x8000  }
0x4a: {  	s0 =	smax.u32 s0, $0x1;
	[sflag:s23] =	ssyncset.done $0x0  }
0x4b: {  	p0 =	sne.s32 s0, $0x1;
	[sflag:s23] =	ssyncadd.s32 $0xFFFF8000  }
.Ltmp0:
0x4c: {  	_ =	swait.ge [sflag:s15], $0x8000;
	(pc) =	sbr.rel @!p0 .LBB2_2-.Ltmp0, $4  }
0x4d: {  	[sflag:s15] =	ssyncset.done $0x0  }
0x4e: {  	[sflag:s15] =	ssyncadd.s32 $0xFFFF8000  }
0x4f: {  	_ =	swait.ge [sflag:s18], $0x8000  }
0x50: {  	s31 =	sadd.s32 $0xFFFFFFFF, s0;
	[sflag:s18] =	ssyncset.done $0x0  }
.LBB2_1:
0x51: {  	p0 =	sne.s32 s31, $0x1;
	s31 =	sadd.s32 $0xFFFFFFFF, s31;
	[sflag:s18] =	ssyncadd.s32 $0xFFFF8000  }
0x52: {  	[tilespmem:s2], [sflag:$0x7] =	stream.linear.gather [hbm4b:s3+s2], $0x200, $0x38;
	[tilespmem:$0x18400] =	vst v63  }
0x53: {  	_ =	swait.ge [sflag:s4], $0x200  }
0x54: {  	[sflag:s4] =	ssyncset.done $0x0  }
0x55: {  	[sflag:s4] =	ssyncadd.s32 $0xFFFFFE00  }
0x56: {  	[tilespmem:s6], [sflag:$0x7] =	stream.linear.gather [hbm4b:s5+s2], $0x200, $0x38;
	[tilespmem:$0x18400] =	vst v63  }
0x57: {  	_ =	swait.ge [sflag:s4], $0x200  }
0x58: {  	[sflag:s4] =	ssyncset.done $0x0  }
0x59: {  	[sflag:s4] =	ssyncadd.s32 $0xFFFFFE00  }
0x5a: {  	[tilespmem:s9], [sflag:$0x1] =	stream.indirect.gather [hbm4b:s7+s8], $0x80, s2, s8, $0xb8;
	[tilespmem:$0x18400] =	vst v63  }
0x5b: {  	_ = 	snop  }
0x5c: {  	[tilespmem:s10], [sflag:$0x2] =	stream.indirect.gather [hbm4b:s7+s8], $0x80, s8, s8, $0xb8;
	[tilespmem:$0x18400] =	vst v63  }
0x5d: {  	_ = 	snop  }
0x5e: {  	[tilespmem:s12], [sflag:$0x3] =	stream.indirect.gather [hbm4b:s11+s8], $0x80, s6, s8, $0xb8;
	[tilespmem:$0x18400] =	vst v63  }
0x5f: {  	_ =	swait.ge [sflag:s13], $0x8000  }
0x60: {  	[sflag:s13] =	ssyncset.done $0x0  }
0x61: {  	[sflag:s13] =	ssyncadd.s32 $0xFFFF8000  }
0x62: {  	[hbm4b:s14+s2] =	stream.linear.scatter [tilespmem:s9], [sflag:$0x4], $0x8000, $0x38;
	[tilespmem:$0x18400] =	vst v63  }
0x63: {  	_ =	swait.ge [sflag:s15], $0x8000  }
0x64: {  	[sflag:s15] =	ssyncset.done $0x0  }
0x65: {  	[sflag:s15] =	ssyncadd.s32 $0xFFFF8000  }
0x66: {  	[tilespmem:s9], [sflag:$0x1] =	stream.indirect.gather [hbm4b:s11+s8], $0x80, s16, s8, $0xb8;
	[tilespmem:$0x18400] =	vst v63  }
0x67: {  	_ =	swait.ge [sflag:s17], $0x8000  }
0x68: {  	[sflag:s17] =	ssyncset.done $0x0  }
0x69: {  	[sflag:s17] =	ssyncadd.s32 $0xFFFF8000  }
0x6a: {  	[hbm4b:s19+s2] =	stream.linear.scatter [tilespmem:s10], [sflag:$0x5], $0x8000, $0x38;
	[tilespmem:$0x18400] =	vst v63  }
0x6b: {  	_ =	swait.ge [sflag:s18], $0x8000  }
0x6c: {  	[sflag:s18] =	ssyncset.done $0x0  }
0x6d: {  	[sflag:s18] =	ssyncadd.s32 $0xFFFF8000  }
0x6e: {  	[tilespmem:s10], [sflag:$0x2] =	stream.indirect.gather [hbm4b:s20+s8], $0x80, s2, s8, $0xb8;
	[tilespmem:$0x18400] =	vst v63  }
0x6f: {  	_ =	swait.ge [sflag:s21], $0x8000  }
0x70: {  	[sflag:s21] =	ssyncset.done $0x0  }
0x71: {  	[sflag:s21] =	ssyncadd.s32 $0xFFFF8000  }
0x72: {  	[hbm4b:s22+s2] =	stream.linear.scatter [tilespmem:s12], [sflag:$0x6], $0x8000, $0x38;
	[tilespmem:$0x18400] =	vst v63  }
0x73: {  	_ =	swait.ge [sflag:s23], $0x8000  }
0x74: {  	[sflag:s23] =	ssyncset.done $0x0  }
0x75: {  	[sflag:s23] =	ssyncadd.s32 $0xFFFF8000  }
0x76: {  	[tilespmem:s12], [sflag:$0x3] =	stream.indirect.gather [hbm4b:s20+s8], $0x80, s8, s8, $0xb8;
	[tilespmem:$0x18400] =	vst v63  }
0x77: {  	_ =	swait.ge [sflag:s13], $0x8000  }
0x78: {  	[sflag:s13] =	ssyncset.done $0x0  }
0x79: {  	[sflag:s13] =	ssyncadd.s32 $0xFFFF8000  }
0x7a: {  	[hbm4b:s24+s2] =	stream.linear.scatter [tilespmem:s9], [sflag:$0x4], $0x8000, $0x38;
	[tilespmem:$0x18400] =	vst v63  }
0x7b: {  	_ =	swait.ge [sflag:s15], $0x8000  }
0x7c: {  	[sflag:s15] =	ssyncset.done $0x0  }
0x7d: {  	[sflag:s15] =	ssyncadd.s32 $0xFFFF8000  }
0x7e: {  	[tilespmem:s9], [sflag:$0x1] =	stream.indirect.gather [hbm4b:s25+s8], $0x80, s6, s8, $0xb8;
	[tilespmem:$0x18400] =	vst v63  }
0x7f: {  	_ =	swait.ge [sflag:s17], $0x8000  }
0x80: {  	[sflag:s17] =	ssyncset.done $0x0  }
0x81: {  	[sflag:s17] =	ssyncadd.s32 $0xFFFF8000  }
0x82: {  	[hbm4b:s26+s2] =	stream.linear.scatter [tilespmem:s10], [sflag:$0x5], $0x8000, $0x38;
	[tilespmem:$0x18400] =	vst v63  }
0x83: {  	_ =	swait.ge [sflag:s18], $0x8000  }
0x84: {  	[sflag:s18] =	ssyncset.done $0x0  }
0x85: {  	[sflag:s18] =	ssyncadd.s32 $0xFFFF8000  }
0x86: {  	[tilespmem:s10], [sflag:$0x2] =	stream.indirect.gather [hbm4b:s25+s8], $0x80, s16, s8, $0xb8;
	[tilespmem:$0x18400] =	vst v63  }
0x87: {  	_ =	swait.ge [sflag:s21], $0x8000  }
0x88: {  	[sflag:s21] =	ssyncset.done $0x0  }
0x89: {  	[sflag:s21] =	ssyncadd.s32 $0xFFFF8000  }
0x8a: {  	[hbm4b:s28+s2] =	stream.linear.scatter [tilespmem:s12], [sflag:$0x6], $0x8000, $0x38;
	[tilespmem:$0x18400] =	vst v63  }
0x8b: {  	_ =	swait.ge [sflag:s13], $0x8000  }
0x8c: {  	[sflag:s13] =	ssyncset.done $0x0  }
0x8d: {  	[sflag:s13] =	ssyncadd.s32 $0xFFFF8000  }
0x8e: {  	[hbm4b:s29+s2] =	stream.linear.scatter [tilespmem:s9], [sflag:$0x4], $0x8000, $0x38;
	[tilespmem:$0x18400] =	vst v63  }
0x8f: {  	_ =	swait.ge [sflag:s17], $0x8000  }
0x90: {  	[sflag:s17] =	ssyncset.done $0x0  }
0x91: {  	[sflag:s17] =	ssyncadd.s32 $0xFFFF8000  }
0x92: {  	[hbm4b:s30+s2] =	stream.linear.scatter [tilespmem:s10], [sflag:$0x5], $0x8000, $0x38;
	[tilespmem:$0x18400] =	vst v63  }
0x93: {  	_ =	swait.ge [sflag:s23], $0x8000  }
0x94: {  	[sflag:s23] =	ssyncset.done $0x0  }
0x95: {  	[sflag:s23] =	ssyncadd.s32 $0xFFFF8000  }
.Ltmp1:
0x96: {  	_ =	swait.ge [sflag:s15], $0x8000;
	(pc) =	sbr.rel @p0 .LBB2_1-.Ltmp1, $4  }
0x97: {  	[sflag:s15] =	ssyncset.done $0x0  }
0x98: {  	[sflag:s15] =	ssyncadd.s32 $0xFFFF8000  }
0x99: {  	_ =	swait.ge [sflag:s18], $0x8000  }
0x9a: {  	[sflag:s18] =	ssyncset.done $0x0  }
.LBB2_2:
0x9b: {  	[sflag:s18] =	ssyncadd.s32 $0xFFFF8000  }
0x9c: {  	_ =	sfence.sel $0x180000  }
0x9d: {  	[bflag:$0x0] =	sbarrier.arrive $0xFFFF  }
0x9e: {  	_ =	strace $0x90000047  }
0x9f: {  	s0 =	stileid.u32;
	[bflag:$0x2] =	sbarrier.arrive $0xFFFF  }
0xa0: {  	p0 =	sne.s32 s0, $0x0;
	s0 =	rddreg [dreg:$0x2]  }
0xa1: {  	s0 =	sadd.s32 @!p0 $0x100000, s0  }
0xa2: {  	[sflag:s0] =	ssyncadd.tile.s32 @!p0 $0x1;
	_ =	shalt  }
.Lfunc_end2:
_tile_overlayer_lowered:
.L_overlay_start_2:
0xa3: {  	(tag) =	ssettag $0x2  }
0xa4: {  	s0 =	rddreg [dreg:$0x0];
	s2 =	stileid.u32  }
0xa5: {  	s1 =	rddreg [dreg:$0x1];
	p0 =	sne.s32 s2, $0x0  }
0xa6: {  	s3 =	rddreg [dreg:$0x2];
	[bflag:$0x3] =	sbarrier.arrive $0xFFFF;
	s2 =	simm.s32 @!p0 $0x1C07  }
0xa7: {  	[timem:s3], [sflag:s2] =	dma.local @!p0 [hbm:s0], s1  }
0xa8: {  	s0 =	simm.s32 @!p0 $0x7  }
0xa9: {  	_ =	swait.ge @!p0 [sflag:s0], s1  }
0xaa: {  	s1 =	ssub.s32 @!p0 $0x0, s1;
	[sflag:s0] =	ssyncset.done @!p0 $0x0  }
0xab: {  	[sflag:s0] =	ssyncadd.s32 @!p0 s1  }
0xac: {  	[bflag:$0x3] =	sbarrier.arrive $0xFFFF  }
0xad: {  	_ =	shalt  }

</sc_bundles>
